<compile_context>
chip_gen: v7x
topology: tpu7x:2x2x1
jax: 0.10.2.dev20260603
libtpu: 0.0.44.dev20260713+nightly
codegen_flags: <defaults>
</compile_context>

<pallas_src>
import functools

import jax
import jax.numpy as jnp
from jax import lax
from jax.experimental import pallas as pl
from jax.experimental.pallas import tpu as pltpu
from jax.experimental.pallas import tpu_sc as plsc

_B = 16
_K = 20
_P = 640


def _dot(a, b):
    return lax.dot_general(a, b, (((1,), (0,)), ((), ())),
                           preferred_element_type=jnp.float32)


def _knn_body(starts_ref, x_ref, idx_ref, d_ref, *, P, K):
    s = pl.program_id(0)
    st = starts_ref[s]
    size = starts_ref[s + 1] - st
    x = x_ref[pl.ds(st, P), :]
    sq = jnp.sum(x * x, axis=1, keepdims=True)
    g = lax.dot_general(x, x, (((1,), (1,)), ((), ())),
                        preferred_element_type=jnp.float32)
    d2 = (sq - 2.0 * g) + jnp.transpose(sq)
    col = lax.broadcasted_iota(jnp.int32, (1, P), 1)
    BIG = jnp.float32(3e38)
    d_ref[...] = jnp.where(col < size, d2, BIG)
    kcol = lax.broadcasted_iota(jnp.int32, (1, K), 1)

    def body(k, loc):
        d = d_ref[...]
        m = jnp.min(d, axis=1, keepdims=True)
        a = jnp.min(jnp.where(d <= m, col, P), axis=1, keepdims=True)
        d_ref[...] = jnp.where(col == a, BIG, d)
        return jnp.where(kcol == k, a, loc)

    loc = lax.fori_loop(0, K, body, jnp.zeros((P, K), jnp.int32))
    idx_ref[pl.ds(st, P), :] = loc + st


def _knn(xp, starts, *, F):
    npad = xp.shape[0]
    grid_spec = pltpu.PrefetchScalarGridSpec(
        num_scalar_prefetch=1,
        grid=(_B,),
        in_specs=[pl.BlockSpec((npad, F), lambda s, st: (0, 0))],
        out_specs=pl.BlockSpec((npad, _K), lambda s, st: (0, 0)),
        scratch_shapes=[pltpu.VMEM((_P, _P), jnp.float32)],
    )
    return pl.pallas_call(
        functools.partial(_knn_body, P=_P, K=_K),
        grid_spec=grid_spec,
        out_shape=jax.ShapeDtypeStruct((npad, _K), jnp.int32),
    )(starts, xp)


def _sc_gather(table, idx, *, nb, D, CH):
    NW = 32
    bpw = nb // NW
    mesh = plsc.VectorSubcoreMesh(core_axis_name="c", subcore_axis_name="s")

    nch = bpw // CH

    @functools.partial(
        pl.kernel, mesh=mesh,
        out_type=jax.ShapeDtypeStruct((nb, D), jnp.float32),
        scratch_types=[pltpu.VMEM((bpw,), jnp.int32),
                       pltpu.VMEM((CH, D), jnp.float32),
                       pltpu.VMEM((CH, D), jnp.float32),
                       pltpu.SemaphoreType.DMA,
                       pltpu.SemaphoreType.DMA],
        compiler_params=pltpu.CompilerParams(use_tc_tiling_on_sc=False),
    )
    def gk(table_hbm, idx_hbm, out_hbm, idx_v, rows0, rows1, sem0, sem1):
        wid = lax.axis_index("s") * 2 + lax.axis_index("c")
        base = wid * bpw
        pltpu.sync_copy(idx_hbm.at[pl.ds(base, bpw)], idx_v)
        bufs, sems = (rows0, rows1), (sem0, sem1)
        cps = [pltpu.async_copy(
            table_hbm.at[idx_v.at[pl.ds(0, CH)]], rows0, sem0)]
        for c in range(nch):
            if c + 1 < nch:
                cps.append(pltpu.async_copy(
                    table_hbm.at[idx_v.at[pl.ds((c + 1) * CH, CH)]],
                    bufs[(c + 1) % 2], sems[(c + 1) % 2]))
            cps[c].wait()
            pltpu.sync_copy(bufs[c % 2], out_hbm.at[pl.ds(base + c * CH, CH)])

    return gk(table, idx)


def _edge1_body(u_ref, g_ref, w1_ref, b1_ref, rm1_ref, q1_ref, ga1_ref,
                be1_ref, w2_ref, b2_ref, rm2_ref, q2_ref, ga2_ref, be2_ref,
                w3_ref, b3_ref, x1_ref, *, R, K):
    u = u_ref[...]
    m = jnp.concatenate(
        [u + g_ref[:, k * 8:(k + 1) * 8] for k in range(K)], axis=0)
    z = _dot(m, w1_ref[...]) + b1_ref[...]
    h = jnp.maximum((z - rm1_ref[...]) / q1_ref[...] * ga1_ref[...]
                    + be1_ref[...], 0.0)
    z = _dot(h, w2_ref[...]) + b2_ref[...]
    h = jnp.maximum((z - rm2_ref[...]) / q2_ref[...] * ga2_ref[...]
                    + be2_ref[...], 0.0)
    e = _dot(h, w3_ref[...]) + b3_ref[...]
    x1 = e[0:R]
    for k in range(1, K):
        x1 = jnp.maximum(x1, e[k * R:(k + 1) * R])
    x1_ref[...] = x1


def _edge1(u1, gj, params, *, R, npad):
    n = u1.shape[0]
    row = lambda v: v[None, :]
    (w1p, b1, rm1, q1, ga1, be1, w2, b2, rm2, q2, ga2, be2, w3, b3) = params
    ins = (u1, gj, w1p, row(b1), row(rm1), row(q1), row(ga1), row(be1),
           w2, row(b2), row(rm2), row(q2), row(ga2), row(be2), w3, row(b3))
    specs = [pl.BlockSpec((R, 8), lambda i: (i, 0)),
             pl.BlockSpec((R, _K * 8), lambda i: (i, 0)),
             pl.BlockSpec((8, 64), lambda i: (0, 0))]
    specs += [pl.BlockSpec((1, 64), lambda i: (0, 0))] * 5
    specs += [pl.BlockSpec((64, 64), lambda i: (0, 0))]
    specs += [pl.BlockSpec((1, 64), lambda i: (0, 0))] * 5
    specs += [pl.BlockSpec((64, 64), lambda i: (0, 0)),
              pl.BlockSpec((1, 64), lambda i: (0, 0))]
    return pl.pallas_call(
        functools.partial(_edge1_body, R=R, K=_K),
        grid=(n // R,),
        in_specs=specs,
        out_specs=pl.BlockSpec((R, 64), lambda i: (i, 0)),
        out_shape=jax.ShapeDtypeStruct((npad, 64), jnp.float32),
    )(*ins)


def _pool_body(starts_ref, x1_ref, g2_ref, w4_ref, b4_ref, wl_ref, bl_ref,
               wm1_ref, bm1_ref, wm2_ref, bm2_ref, wm3_ref, bm3_ref,
               out_ref, pool_scr, *, R, K, B, NB):
    pid = pl.program_id(0)
    NEG = jnp.float32(-3e38)

    @pl.when(pid == 0)
    def _():
        pool_scr[...] = jnp.full(pool_scr.shape, NEG, jnp.float32)

    @pl.when(pid < NB)
    def _():
        x1 = x1_ref[...]
        m2 = jnp.concatenate(
            [jnp.concatenate([x1, g2_ref[:, k * 64:(k + 1) * 64] - x1],
                             axis=1) for k in range(K)], axis=0)
        e = _dot(m2, w4_ref[...]) + b4_ref[...]
        x2 = e[0:R]
        for k in range(1, K):
            x2 = jnp.maximum(x2, e[k * R:(k + 1) * R])
        feat = jnp.concatenate([x1, x2], axis=1)
        lin = _dot(feat, wl_ref[...]) + bl_ref[...]
        base = pid * R
        rows = base + lax.broadcasted_iota(jnp.int32, (R, 1), 0)

        s_lo = jnp.int32(0)
        s_hi = jnp.int32(0)
        for s in range(B):
            s_lo += jnp.where(starts_ref[s + 1] <= base, 1, 0).astype(jnp.int32)
            s_hi += jnp.where(starts_ref[s] < base + R, 1, 0).astype(jnp.int32)

        def seg_body(s, _):
            msk = (rows >= starts_ref[s]) & (rows < starts_ref[s + 1])
            part = jnp.max(jnp.where(msk, lin, NEG), axis=0, keepdims=True)
            pool_scr[pl.ds(s, 1), :] = jnp.maximum(
                pool_scr[pl.ds(s, 1), :], part)
            return 0

        lax.fori_loop(s_lo, s_hi, seg_body, 0)

    @pl.when(pid == NB)
    def _():
        h = jnp.maximum(_dot(pool_scr[...], wm1_ref[...]) + bm1_ref[...], 0.0)
        h = jnp.maximum(_dot(h, wm2_ref[...]) + bm2_ref[...], 0.0)
        out_ref[...] = _dot(h, wm3_ref[...]) + bm3_ref[...]


def _pool(x1, g2v, w4, b4, wl, bl, wm1, bm1, wm2, bm2, wm3, bm3,
          starts, *, R, n):
    nb = n // R
    last = nb - 1
    blk = lambda i, st: (jnp.minimum(i, last), 0)
    zero = lambda i, st: (0, 0)
    grid_spec = pltpu.PrefetchScalarGridSpec(
        num_scalar_prefetch=1,
        grid=(nb + 1,),
        in_specs=[pl.BlockSpec((R, 64), blk),
                  pl.BlockSpec((R, _K * 64), blk),
                  pl.BlockSpec((128, 128), zero),
                  pl.BlockSpec((1, 128), zero),
                  pl.BlockSpec((192, 1024), zero),
                  pl.BlockSpec((1, 1024), zero),
                  pl.BlockSpec((1024, 512), zero),
                  pl.BlockSpec((1, 512), zero),
                  pl.BlockSpec((512, 256), zero),
                  pl.BlockSpec((1, 256), zero),
                  pl.BlockSpec((256, 40), zero),
                  pl.BlockSpec((1, 40), zero)],
        out_specs=pl.BlockSpec((_B, 40), zero),
        scratch_shapes=[pltpu.VMEM((_B, 1024), jnp.float32)],
    )
    return pl.pallas_call(
        functools.partial(_pool_body, R=R, K=_K, B=_B, NB=nb),
        grid_spec=grid_spec,
        out_shape=jax.ShapeDtypeStruct((_B, 40), jnp.float32),
    )(starts, x1, g2v, w4, b4[None, :], wl, bl[None, :],
      wm1, bm1[None, :], wm2, bm2[None, :], wm3, bm3[None, :])


def kernel(pos, batch, w1, b1, g1, be1, rm1, rv1, w2, b2, g2, be2, rm2, rv2,
           w3, b3, w4, b4, wl, bl, wm1, bm1, wm2, bm2, wm3, bm3):
    n = pos.shape[0]
    npad = n + _P
    starts = jnp.searchsorted(
        batch, jnp.arange(_B + 1, dtype=jnp.int32), side='left').astype(jnp.int32)

    q1 = jnp.sqrt(rv1 + 1e-5)
    q2 = jnp.sqrt(rv2 + 1e-5)
    w1p = jnp.pad(w1, ((0, 2), (0, 0)))
    zc = jnp.zeros((n, 2), jnp.float32)
    u1 = jnp.concatenate([pos, -pos, zc], axis=1)
    tbl1 = jnp.pad(pos, ((0, 0), (3, 2)))

    posp = jnp.pad(pos, ((0, npad - n), (0, 5)))
    idx1 = _knn(posp, starts, F=8)
    gj = _sc_gather(tbl1, idx1.reshape(-1), nb=n * _K, D=8, CH=1280)
    x1p = _edge1(
        u1, gj.reshape(n, _K * 8),
        (w1p, b1, rm1, q1, g1, be1, w2, b2, rm2, q2, g2, be2, w3, b3),
        R=512, npad=npad)

    idx2 = _knn(x1p, starts, F=64)
    g2r = _sc_gather(x1p, idx2.reshape(-1), nb=n * _K, D=64, CH=640)

    return _pool(x1p, g2r.reshape(n, _K * 64), w4, b4, wl, bl,
                 wm1, bm1, wm2, bm2, wm3, bm3, starts, R=256, n=n)

# --- scband reference (transcript-rebuilt; emitter-appended) ---
"""Pipeline reference for scband-dgcnnalt-47193100648616 (READ-ONLY COPY).

The authoritative reference and input builder live on the scoring server;
editing this copy changes nothing except your own understanding.
"""

import jax, jax.numpy as jnp
import numpy as np

N = 8192
B = 16
K = 20

def setup_inputs(seed: int = 0):
    key = jax.random.key(seed)
    ks = jax.random.split(key, 16)
    s = 0.1
    inp = {}
    inp["pos"] = jax.random.normal(ks[0], (N, 3), dtype=jnp.float32)
    inp["batch"] = jnp.sort(jax.random.randint(ks[1], (N,), 0, B, dtype=jnp.int32))
    inp["w1"] = jax.random.normal(ks[2], (6, 64), dtype=jnp.float32) * s
    inp["b1"] = jnp.zeros((64,), jnp.float32)
    inp["g1"] = jnp.ones((64,), jnp.float32)
    inp["be1"] = jnp.zeros((64,), jnp.float32)
    inp["rm1"] = jnp.zeros((64,), jnp.float32)
    inp["rv1"] = jnp.ones((64,), jnp.float32)
    inp["w2"] = jax.random.normal(ks[3], (64, 64), dtype=jnp.float32) * s
    inp["b2"] = jnp.zeros((64,), jnp.float32)
    inp["g2"] = jnp.ones((64,), jnp.float32)
    inp["be2"] = jnp.zeros((64,), jnp.float32)
    inp["rm2"] = jnp.zeros((64,), jnp.float32)
    inp["rv2"] = jnp.ones((64,), jnp.float32)
    inp["w3"] = jax.random.normal(ks[4], (64, 64), dtype=jnp.float32) * s
    inp["b3"] = jnp.zeros((64,), jnp.float32)
    inp["w4"] = jax.random.normal(ks[5], (128, 128), dtype=jnp.float32) * s
    inp["b4"] = jnp.zeros((128,), jnp.float32)
    inp["wl"] = jax.random.normal(ks[6], (192, 1024), dtype=jnp.float32) * s
    inp["bl"] = jnp.zeros((1024,), jnp.float32)
    inp["wm1"] = jax.random.normal(ks[7], (1024, 512), dtype=jnp.float32) * s
    inp["bm1"] = jnp.zeros((512,), jnp.float32)
    inp["wm2"] = jax.random.normal(ks[8], (512, 256), dtype=jnp.float32) * s
    inp["bm2"] = jnp.zeros((256,), jnp.float32)
    inp["wm3"] = jax.random.normal(ks[9], (256, 40), dtype=jnp.float32) * s
    inp["bm3"] = jnp.zeros((40,), jnp.float32)
    return inp

def _knn_idx(x, batch, k):
    sq = jnp.sum(x * x, axis=1)
    d2 = sq[:, None] + sq[None, :] - 2.0 * (x @ x.T)
    mask = batch[:, None] != batch[None, :]
    d2 = jnp.where(mask, jnp.inf, d2)
    _, idx = jax.lax.top_k(-d2, k)
    return idx

def _bn(x, g, b, rm, rv):
    return (x - rm) / jnp.sqrt(rv + 1e-5) * g + b

def _edge_conv(x, idx, fn):
    xj = x[idx]
    xi = jnp.broadcast_to(x[:, None, :], xj.shape)
    m = jnp.concatenate([xi, xj - xi], axis=-1)
    return jnp.max(fn(m), axis=1)

def reference(pos, batch, w1, b1, g1, be1, rm1, rv1, w2, b2, g2, be2, rm2, rv2, w3, b3, w4, b4, wl, bl, wm1, bm1, wm2, bm2, wm3, bm3):
    def nn1(m):
        h = jax.nn.relu(_bn(m @ w1 + b1, g1, be1, rm1, rv1))
        h = jax.nn.relu(_bn(h @ w2 + b2, g2, be2, rm2, rv2))
        return h @ w3 + b3
    def nn2(m):
        return m @ w4 + b4
    idx1 = _knn_idx(pos, batch, K)
    x1 = _edge_conv(pos, idx1, nn1)
    idx2 = _knn_idx(x1, batch, K)
    x2 = _edge_conv(x1, idx2, nn2)
    lin = jnp.concatenate([x1, x2], axis=1) @ wl + bl
    pooled = jax.ops.segment_max(lin, batch, num_segments=B)
    h = jax.nn.relu(pooled @ wm1 + bm1)
    h = jax.nn.relu(h @ wm2 + bm2)
    return h @ wm3 + bm3

if __name__ == "__main__":
    import jax
    _d = setup_inputs()
    print(jax.jit(kernel)(*tuple(_d.values())))

</pallas_src>

<mosaic_0001>
#map = affine_map<(d0, d1) -> (0, 0)>
#map1 = affine_map<(d0, d1) -> (0)>
module attributes {stable_mosaic.version = 14 : i64} {
  func.func @gk(%arg0: i32, %arg1: i32, %arg2: memref<8192x8xf32, #tpu.memory_space<hbm>>, %arg3: memref<176640xi32, #tpu.memory_space<hbm>>, %arg4: memref<163840x8xf32, #tpu.memory_space<hbm>>, %arg5: memref<5120xi32, #tpu.memory_space<vmem>>, %arg6: memref<1280x8xf32, #tpu.memory_space<vmem>>, %arg7: memref<1280x8xf32, #tpu.memory_space<vmem>>, %arg8: memref<!tpu.dma_semaphore, #tpu.memory_space<semaphore_mem>>, %arg9: memref<!tpu.dma_semaphore, #tpu.memory_space<semaphore_mem>>) attributes {dimension_semantics = [#tpu.dimension_semantics<core_parallel>, #tpu.dimension_semantics<subcore_parallel>], iteration_bounds = array<i64: 2, 16>, scalar_prefetch = 0 : i64, scratch_operands = 5 : i64, tpu.core_type = #tpu.core_type<sc_vector_subcore>, window_params = [{transform_indices = #map}, {transform_indices = #map1}, {transform_indices = #map}]} {
    %mul3A = arith.constant 2 : i32
    %mul3A_0 = arith.muli %arg1, %mul3A : i32
    %add3A = arith.addi %mul3A_0, %arg0 : i32
    %mul3A_1 = arith.constant 5120 : i32
    %mul3A_2 = arith.muli %add3A, %mul3A_1 : i32
    "tpu.region"() ({
      %run_scoped3A = tpu.sem_alloc : memref<!tpu.dma_semaphore, #tpu.memory_space<semaphore_mem>>
      %dma_start3A_49 = tpu.memref_slice %arg3[%mul3A_2] : memref<176640xi32, #tpu.memory_space<hbm>> -> memref<5120xi32, #tpu.memory_space<hbm>>
      %dma_start3A_50 = tpu.memref_slice %arg3[%mul3A_2] : memref<176640xi32, #tpu.memory_space<hbm>> -> memref<5120xi32, #tpu.memory_space<hbm>>
      tpu.enqueue_dma source(%dma_start3A_50 : memref<5120xi32, #tpu.memory_space<hbm>>) target(%arg5 : memref<5120xi32, #tpu.memory_space<vmem>>) target_semaphore(%run_scoped3A : memref<!tpu.dma_semaphore, #tpu.memory_space<semaphore_mem>>)
      %dma_wait3A_51 = tpu.memref_slice %arg3[%mul3A_2] : memref<176640xi32, #tpu.memory_space<hbm>> -> memref<5120xi32, #tpu.memory_space<hbm>>
      %dma_wait3A_52 = tpu.memref_slice %arg3[%mul3A_2] : memref<176640xi32, #tpu.memory_space<hbm>> -> memref<5120xi32, #tpu.memory_space<hbm>>
      tpu.wait_dma2 semaphore(%run_scoped3A : memref<!tpu.dma_semaphore, #tpu.memory_space<semaphore_mem>>) src(%dma_wait3A_52 : memref<5120xi32, #tpu.memory_space<hbm>>) dst(%arg5 : memref<5120xi32, #tpu.memory_space<vmem>>)
      tpu.yield
    }) : () -> ()
    %dma_start3A = arith.constant 0 : i32
    %dma_start3A_3 = tpu.memref_slice %arg5[%dma_start3A] : memref<5120xi32, #tpu.memory_space<vmem>> -> memref<1280xi32, #tpu.memory_space<vmem>>
    %dma_start3A_4 = arith.constant 0 : i32
    %dma_start3A_5 = arith.constant 0 : i32
    %dma_start3A_6 = tpu.memref_slice %arg2[%dma_start3A_4, %dma_start3A_5] : memref<8192x8xf32, #tpu.memory_space<hbm>> -> memref<8192x8xf32, #tpu.memory_space<hbm>>
    tpu.enqueue_indirect_dma source(%dma_start3A_6 : memref<8192x8xf32, #tpu.memory_space<hbm>>) target(%arg6 : memref<1280x8xf32, #tpu.memory_space<vmem>>) offsets(%dma_start3A_3 : memref<1280xi32, #tpu.memory_space<vmem>>) semaphore(%arg8 : memref<!tpu.dma_semaphore, #tpu.memory_space<semaphore_mem>>)
    %dma_start3A_7 = arith.constant 1280 : i32
    %dma_start3A_8 = tpu.memref_slice %arg5[%dma_start3A_7] : memref<5120xi32, #tpu.memory_space<vmem>> -> memref<1280xi32, #tpu.memory_space<vmem>>
    %dma_start3A_9 = arith.constant 0 : i32
    %dma_start3A_10 = arith.constant 0 : i32
    %dma_start3A_11 = tpu.memref_slice %arg2[%dma_start3A_9, %dma_start3A_10] : memref<8192x8xf32, #tpu.memory_space<hbm>> -> memref<8192x8xf32, #tpu.memory_space<hbm>>
    tpu.enqueue_indirect_dma source(%dma_start3A_11 : memref<8192x8xf32, #tpu.memory_space<hbm>>) target(%arg7 : memref<1280x8xf32, #tpu.memory_space<vmem>>) offsets(%dma_start3A_8 : memref<1280xi32, #tpu.memory_space<vmem>>) semaphore(%arg9 : memref<!tpu.dma_semaphore, #tpu.memory_space<semaphore_mem>>)
    %dma_wait3A = arith.constant 0 : i32
    %dma_wait3A_12 = tpu.memref_slice %arg5[%dma_wait3A] : memref<5120xi32, #tpu.memory_space<vmem>> -> memref<1280xi32, #tpu.memory_space<vmem>>
    %dma_wait3A_13 = arith.constant 0 : i32
    %dma_wait3A_14 = arith.constant 0 : i32
    %dma_wait3A_15 = tpu.memref_slice %arg2[%dma_wait3A_13, %dma_wait3A_14] : memref<8192x8xf32, #tpu.memory_space<hbm>> -> memref<8192x8xf32, #tpu.memory_space<hbm>>
    tpu.wait_indirect_dma semaphore(%arg8 : memref<!tpu.dma_semaphore, #tpu.memory_space<semaphore_mem>>) src(%dma_wait3A_15 : memref<8192x8xf32, #tpu.memory_space<hbm>>) dst(%arg6 : memref<1280x8xf32, #tpu.memory_space<vmem>>)
    %add3A_16 = arith.constant 0 : i32
    %add3A_17 = arith.addi %mul3A_2, %add3A_16 : i32
    "tpu.region"() ({
      %run_scoped3A = tpu.sem_alloc : memref<!tpu.dma_semaphore, #tpu.memory_space<semaphore_mem>>
      %dma_start3A_49 = arith.constant 0 : i32
      %dma_start3A_50 = tpu.memref_slice %arg4[%add3A_17, %dma_start3A_49] : memref<163840x8xf32, #tpu.memory_space<hbm>> -> memref<1280x8xf32, #tpu.memory_space<hbm>>
      %dma_start3A_51 = arith.constant 0 : i32
      %dma_start3A_52 = tpu.memref_slice %arg4[%add3A_17, %dma_start3A_51] : memref<163840x8xf32, #tpu.memory_space<hbm>> -> memref<1280x8xf32, #tpu.memory_space<hbm>>
      tpu.enqueue_dma source(%arg6 : memref<1280x8xf32, #tpu.memory_space<vmem>>) target(%dma_start3A_52 : memref<1280x8xf32, #tpu.memory_space<hbm>>) target_semaphore(%run_scoped3A : memref<!tpu.dma_semaphore, #tpu.memory_space<semaphore_mem>>)
      %dma_wait3A_53 = arith.constant 0 : i32
      %dma_wait3A_54 = tpu.memref_slice %arg4[%add3A_17, %dma_wait3A_53] : memref<163840x8xf32, #tpu.memory_space<hbm>> -> memref<1280x8xf32, #tpu.memory_space<hbm>>
      %dma_wait3A_55 = arith.constant 0 : i32
      %dma_wait3A_56 = tpu.memref_slice %arg4[%add3A_17, %dma_wait3A_55] : memref<163840x8xf32, #tpu.memory_space<hbm>> -> memref<1280x8xf32, #tpu.memory_space<hbm>>
      tpu.wait_dma2 semaphore(%run_scoped3A : memref<!tpu.dma_semaphore, #tpu.memory_space<semaphore_mem>>) src(%arg6 : memref<1280x8xf32, #tpu.memory_space<vmem>>) dst(%dma_wait3A_56 : memref<1280x8xf32, #tpu.memory_space<hbm>>)
      tpu.yield
    }) : () -> ()
    %dma_start3A_18 = arith.constant 2560 : i32
    %dma_start3A_19 = tpu.memref_slice %arg5[%dma_start3A_18] : memref<5120xi32, #tpu.memory_space<vmem>> -> memref<1280xi32, #tpu.memory_space<vmem>>
    %dma_start3A_20 = arith.constant 0 : i32
    %dma_start3A_21 = arith.constant 0 : i32
    %dma_start3A_22 = tpu.memref_slice %arg2[%dma_start3A_20, %dma_start3A_21] : memref<8192x8xf32, #tpu.memory_space<hbm>> -> memref<8192x8xf32, #tpu.memory_space<hbm>>
    tpu.enqueue_indirect_dma source(%dma_start3A_22 : memref<8192x8xf32, #tpu.memory_space<hbm>>) target(%arg6 : memref<1280x8xf32, #tpu.memory_space<vmem>>) offsets(%dma_start3A_19 : memref<1280xi32, #tpu.memory_space<vmem>>) semaphore(%arg8 : memref<!tpu.dma_semaphore, #tpu.memory_space<semaphore_mem>>)
    %dma_wait3A_23 = arith.constant 1280 : i32
    %dma_wait3A_24 = tpu.memref_slice %arg5[%dma_wait3A_23] : memref<5120xi32, #tpu.memory_space<vmem>> -> memref<1280xi32, #tpu.memory_space<vmem>>
    %dma_wait3A_25 = arith.constant 0 : i32
    %dma_wait3A_26 = arith.constant 0 : i32
    %dma_wait3A_27 = tpu.memref_slice %arg2[%dma_wait3A_25, %dma_wait3A_26] : memref<8192x8xf32, #tpu.memory_space<hbm>> -> memref<8192x8xf32, #tpu.memory_space<hbm>>
    tpu.wait_indirect_dma semaphore(%arg9 : memref<!tpu.dma_semaphore, #tpu.memory_space<semaphore_mem>>) src(%dma_wait3A_27 : memref<8192x8xf32, #tpu.memory_space<hbm>>) dst(%arg7 : memref<1280x8xf32, #tpu.memory_space<vmem>>)
    %add3A_28 = arith.constant 1280 : i32
    %add3A_29 = arith.addi %mul3A_2, %add3A_28 : i32
    "tpu.region"() ({
      %run_scoped3A = tpu.sem_alloc : memref<!tpu.dma_semaphore, #tpu.memory_space<semaphore_mem>>
      %dma_start3A_49 = arith.constant 0 : i32
      %dma_start3A_50 = tpu.memref_slice %arg4[%add3A_29, %dma_start3A_49] : memref<163840x8xf32, #tpu.memory_space<hbm>> -> memref<1280x8xf32, #tpu.memory_space<hbm>>
      %dma_start3A_51 = arith.constant 0 : i32
      %dma_start3A_52 = tpu.memref_slice %arg4[%add3A_29, %dma_start3A_51] : memref<163840x8xf32, #tpu.memory_space<hbm>> -> memref<1280x8xf32, #tpu.memory_space<hbm>>
      tpu.enqueue_dma source(%arg7 : memref<1280x8xf32, #tpu.memory_space<vmem>>) target(%dma_start3A_52 : memref<1280x8xf32, #tpu.memory_space<hbm>>) target_semaphore(%run_scoped3A : memref<!tpu.dma_semaphore, #tpu.memory_space<semaphore_mem>>)
      %dma_wait3A_53 = arith.constant 0 : i32
      %dma_wait3A_54 = tpu.memref_slice %arg4[%add3A_29, %dma_wait3A_53] : memref<163840x8xf32, #tpu.memory_space<hbm>> -> memref<1280x8xf32, #tpu.memory_space<hbm>>
      %dma_wait3A_55 = arith.constant 0 : i32
      %dma_wait3A_56 = tpu.memref_slice %arg4[%add3A_29, %dma_wait3A_55] : memref<163840x8xf32, #tpu.memory_space<hbm>> -> memref<1280x8xf32, #tpu.memory_space<hbm>>
      tpu.wait_dma2 semaphore(%run_scoped3A : memref<!tpu.dma_semaphore, #tpu.memory_space<semaphore_mem>>) src(%arg7 : memref<1280x8xf32, #tpu.memory_space<vmem>>) dst(%dma_wait3A_56 : memref<1280x8xf32, #tpu.memory_space<hbm>>)
      tpu.yield
    }) : () -> ()
    %dma_start3A_30 = arith.constant 3840 : i32
    %dma_start3A_31 = tpu.memref_slice %arg5[%dma_start3A_30] : memref<5120xi32, #tpu.memory_space<vmem>> -> memref<1280xi32, #tpu.memory_space<vmem>>
    %dma_start3A_32 = arith.constant 0 : i32
    %dma_start3A_33 = arith.constant 0 : i32
    %dma_start3A_34 = tpu.memref_slice %arg2[%dma_start3A_32, %dma_start3A_33] : memref<8192x8xf32, #tpu.memory_space<hbm>> -> memref<8192x8xf32, #tpu.memory_space<hbm>>
    tpu.enqueue_indirect_dma source(%dma_start3A_34 : memref<8192x8xf32, #tpu.memory_space<hbm>>) target(%arg7 : memref<1280x8xf32, #tpu.memory_space<vmem>>) offsets(%dma_start3A_31 : memref<1280xi32, #tpu.memory_space<vmem>>) semaphore(%arg9 : memref<!tpu.dma_semaphore, #tpu.memory_space<semaphore_mem>>)
    %dma_wait3A_35 = arith.constant 2560 : i32
    %dma_wait3A_36 = tpu.memref_slice %arg5[%dma_wait3A_35] : memref<5120xi32, #tpu.memory_space<vmem>> -> memref<1280xi32, #tpu.memory_space<vmem>>
    %dma_wait3A_37 = arith.constant 0 : i32
    %dma_wait3A_38 = arith.constant 0 : i32
    %dma_wait3A_39 = tpu.memref_slice %arg2[%dma_wait3A_37, %dma_wait3A_38] : memref<8192x8xf32, #tpu.memory_space<hbm>> -> memref<8192x8xf32, #tpu.memory_space<hbm>>
    tpu.wait_indirect_dma semaphore(%arg8 : memref<!tpu.dma_semaphore, #tpu.memory_space<semaphore_mem>>) src(%dma_wait3A_39 : memref<8192x8xf32, #tpu.memory_space<hbm>>) dst(%arg6 : memref<1280x8xf32, #tpu.memory_space<vmem>>)
    %add3A_40 = arith.constant 2560 : i32
    %add3A_41 = arith.addi %mul3A_2, %add3A_40 : i32
    "tpu.region"() ({
      %run_scoped3A = tpu.sem_alloc : memref<!tpu.dma_semaphore, #tpu.memory_space<semaphore_mem>>
      %dma_start3A_49 = arith.constant 0 : i32
      %dma_start3A_50 = tpu.memref_slice %arg4[%add3A_41, %dma_start3A_49] : memref<163840x8xf32, #tpu.memory_space<hbm>> -> memref<1280x8xf32, #tpu.memory_space<hbm>>
      %dma_start3A_51 = arith.constant 0 : i32
      %dma_start3A_52 = tpu.memref_slice %arg4[%add3A_41, %dma_start3A_51] : memref<163840x8xf32, #tpu.memory_space<hbm>> -> memref<1280x8xf32, #tpu.memory_space<hbm>>
      tpu.enqueue_dma source(%arg6 : memref<1280x8xf32, #tpu.memory_space<vmem>>) target(%dma_start3A_52 : memref<1280x8xf32, #tpu.memory_space<hbm>>) target_semaphore(%run_scoped3A : memref<!tpu.dma_semaphore, #tpu.memory_space<semaphore_mem>>)
      %dma_wait3A_53 = arith.constant 0 : i32
      %dma_wait3A_54 = tpu.memref_slice %arg4[%add3A_41, %dma_wait3A_53] : memref<163840x8xf32, #tpu.memory_space<hbm>> -> memref<1280x8xf32, #tpu.memory_space<hbm>>
      %dma_wait3A_55 = arith.constant 0 : i32
      %dma_wait3A_56 = tpu.memref_slice %arg4[%add3A_41, %dma_wait3A_55] : memref<163840x8xf32, #tpu.memory_space<hbm>> -> memref<1280x8xf32, #tpu.memory_space<hbm>>
      tpu.wait_dma2 semaphore(%run_scoped3A : memref<!tpu.dma_semaphore, #tpu.memory_space<semaphore_mem>>) src(%arg6 : memref<1280x8xf32, #tpu.memory_space<vmem>>) dst(%dma_wait3A_56 : memref<1280x8xf32, #tpu.memory_space<hbm>>)
      tpu.yield
    }) : () -> ()
    %dma_wait3A_42 = arith.constant 3840 : i32
    %dma_wait3A_43 = tpu.memref_slice %arg5[%dma_wait3A_42] : memref<5120xi32, #tpu.memory_space<vmem>> -> memref<1280xi32, #tpu.memory_space<vmem>>
    %dma_wait3A_44 = arith.constant 0 : i32
    %dma_wait3A_45 = arith.constant 0 : i32
    %dma_wait3A_46 = tpu.memref_slice %arg2[%dma_wait3A_44, %dma_wait3A_45] : memref<8192x8xf32, #tpu.memory_space<hbm>> -> memref<8192x8xf32, #tpu.memory_space<hbm>>
    tpu.wait_indirect_dma semaphore(%arg9 : memref<!tpu.dma_semaphore, #tpu.memory_space<semaphore_mem>>) src(%dma_wait3A_46 : memref<8192x8xf32, #tpu.memory_space<hbm>>) dst(%arg7 : memref<1280x8xf32, #tpu.memory_space<vmem>>)
    %add3A_47 = arith.constant 3840 : i32
    %add3A_48 = arith.addi %mul3A_2, %add3A_47 : i32
    "tpu.region"() ({
      %run_scoped3A = tpu.sem_alloc : memref<!tpu.dma_semaphore, #tpu.memory_space<semaphore_mem>>
      %dma_start3A_49 = arith.constant 0 : i32
      %dma_start3A_50 = tpu.memref_slice %arg4[%add3A_48, %dma_start3A_49] : memref<163840x8xf32, #tpu.memory_space<hbm>> -> memref<1280x8xf32, #tpu.memory_space<hbm>>
      %dma_start3A_51 = arith.constant 0 : i32
      %dma_start3A_52 = tpu.memref_slice %arg4[%add3A_48, %dma_start3A_51] : memref<163840x8xf32, #tpu.memory_space<hbm>> -> memref<1280x8xf32, #tpu.memory_space<hbm>>
      tpu.enqueue_dma source(%arg7 : memref<1280x8xf32, #tpu.memory_space<vmem>>) target(%dma_start3A_52 : memref<1280x8xf32, #tpu.memory_space<hbm>>) target_semaphore(%run_scoped3A : memref<!tpu.dma_semaphore, #tpu.memory_space<semaphore_mem>>)
      %dma_wait3A_53 = arith.constant 0 : i32
      %dma_wait3A_54 = tpu.memref_slice %arg4[%add3A_48, %dma_wait3A_53] : memref<163840x8xf32, #tpu.memory_space<hbm>> -> memref<1280x8xf32, #tpu.memory_space<hbm>>
      %dma_wait3A_55 = arith.constant 0 : i32
      %dma_wait3A_56 = tpu.memref_slice %arg4[%add3A_48, %dma_wait3A_55] : memref<163840x8xf32, #tpu.memory_space<hbm>> -> memref<1280x8xf32, #tpu.memory_space<hbm>>
      tpu.wait_dma2 semaphore(%run_scoped3A : memref<!tpu.dma_semaphore, #tpu.memory_space<semaphore_mem>>) src(%arg7 : memref<1280x8xf32, #tpu.memory_space<vmem>>) dst(%dma_wait3A_56 : memref<1280x8xf32, #tpu.memory_space<hbm>>)
      tpu.yield
    }) : () -> ()
    return
  }
}

#map = affine_map<(d0, d1) -> (0, 0)>
#map1 = affine_map<(d0, d1) -> (0)>
module attributes {stable_mosaic.version = 14 : i64} {
  func.func @gk(%arg0: i32, %arg1: i32, %arg2: memref<8832x64xf32, #tpu.memory_space<hbm>>, %arg3: memref<176640xi32, #tpu.memory_space<hbm>>, %arg4: memref<163840x64xf32, #tpu.memory_space<hbm>>, %arg5: memref<5120xi32, #tpu.memory_space<vmem>>, %arg6: memref<640x64xf32, #tpu.memory_space<vmem>>, %arg7: memref<640x64xf32, #tpu.memory_space<vmem>>, %arg8: memref<!tpu.dma_semaphore, #tpu.memory_space<semaphore_mem>>, %arg9: memref<!tpu.dma_semaphore, #tpu.memory_space<semaphore_mem>>) attributes {dimension_semantics = [#tpu.dimension_semantics<core_parallel>, #tpu.dimension_semantics<subcore_parallel>], iteration_bounds = array<i64: 2, 16>, scalar_prefetch = 0 : i64, scratch_operands = 5 : i64, tpu.core_type = #tpu.core_type<sc_vector_subcore>, window_params = [{transform_indices = #map}, {transform_indices = #map1}, {transform_indices = #map}]} {
    %mul3A = arith.constant 2 : i32
    %mul3A_0 = arith.muli %arg1, %mul3A : i32
    %add3A = arith.addi %mul3A_0, %arg0 : i32
    %mul3A_1 = arith.constant 5120 : i32
    %mul3A_2 = arith.muli %add3A, %mul3A_1 : i32
    "tpu.region"() ({
      %run_scoped3A = tpu.sem_alloc : memref<!tpu.dma_semaphore, #tpu.memory_space<semaphore_mem>>
      %dma_start3A_97 = tpu.memref_slice %arg3[%mul3A_2] : memref<176640xi32, #tpu.memory_space<hbm>> -> memref<5120xi32, #tpu.memory_space<hbm>>
      %dma_start3A_98 = tpu.memref_slice %arg3[%mul3A_2] : memref<176640xi32, #tpu.memory_space<hbm>> -> memref<5120xi32, #tpu.memory_space<hbm>>
      tpu.enqueue_dma source(%dma_start3A_98 : memref<5120xi32, #tpu.memory_space<hbm>>) target(%arg5 : memref<5120xi32, #tpu.memory_space<vmem>>) target_semaphore(%run_scoped3A : memref<!tpu.dma_semaphore, #tpu.memory_space<semaphore_mem>>)
      %dma_wait3A_99 = tpu.memref_slice %arg3[%mul3A_2] : memref<176640xi32, #tpu.memory_space<hbm>> -> memref<5120xi32, #tpu.memory_space<hbm>>
      %dma_wait3A_100 = tpu.memref_slice %arg3[%mul3A_2] : memref<176640xi32, #tpu.memory_space<hbm>> -> memref<5120xi32, #tpu.memory_space<hbm>>
      tpu.wait_dma2 semaphore(%run_scoped3A : memref<!tpu.dma_semaphore, #tpu.memory_space<semaphore_mem>>) src(%dma_wait3A_100 : memref<5120xi32, #tpu.memory_space<hbm>>) dst(%arg5 : memref<5120xi32, #tpu.memory_space<vmem>>)
      tpu.yield
    }) : () -> ()
    %dma_start3A = arith.constant 0 : i32
    %dma_start3A_3 = tpu.memref_slice %arg5[%dma_start3A] : memref<5120xi32, #tpu.memory_space<vmem>> -> memref<640xi32, #tpu.memory_space<vmem>>
    %dma_start3A_4 = arith.constant 0 : i32
    %dma_start3A_5 = arith.constant 0 : i32
    %dma_start3A_6 = tpu.memref_slice %arg2[%dma_start3A_4, %dma_start3A_5] : memref<8832x64xf32, #tpu.memory_space<hbm>> -> memref<8832x64xf32, #tpu.memory_space<hbm>>
    tpu.enqueue_indirect_dma source(%dma_start3A_6 : memref<8832x64xf32, #tpu.memory_space<hbm>>) target(%arg6 : memref<640x64xf32, #tpu.memory_space<vmem>>) offsets(%dma_start3A_3 : memref<640xi32, #tpu.memory_space<vmem>>) semaphore(%arg8 : memref<!tpu.dma_semaphore, #tpu.memory_space<semaphore_mem>>)
    %dma_start3A_7 = arith.constant 640 : i32
    %dma_start3A_8 = tpu.memref_slice %arg5[%dma_start3A_7] : memref<5120xi32, #tpu.memory_space<vmem>> -> memref<640xi32, #tpu.memory_space<vmem>>
    %dma_start3A_9 = arith.constant 0 : i32
    %dma_start3A_10 = arith.constant 0 : i32
    %dma_start3A_11 = tpu.memref_slice %arg2[%dma_start3A_9, %dma_start3A_10] : memref<8832x64xf32, #tpu.memory_space<hbm>> -> memref<8832x64xf32, #tpu.memory_space<hbm>>
    tpu.enqueue_indirect_dma source(%dma_start3A_11 : memref<8832x64xf32, #tpu.memory_space<hbm>>) target(%arg7 : memref<640x64xf32, #tpu.memory_space<vmem>>) offsets(%dma_start3A_8 : memref<640xi32, #tpu.memory_space<vmem>>) semaphore(%arg9 : memref<!tpu.dma_semaphore, #tpu.memory_space<semaphore_mem>>)
    %dma_wait3A = arith.constant 0 : i32
    %dma_wait3A_12 = tpu.memref_slice %arg5[%dma_wait3A] : memref<5120xi32, #tpu.memory_space<vmem>> -> memref<640xi32, #tpu.memory_space<vmem>>
    %dma_wait3A_13 = arith.constant 0 : i32
    %dma_wait3A_14 = arith.constant 0 : i32
    %dma_wait3A_15 = tpu.memref_slice %arg2[%dma_wait3A_13, %dma_wait3A_14] : memref<8832x64xf32, #tpu.memory_space<hbm>> -> memref<8832x64xf32, #tpu.memory_space<hbm>>
    tpu.wait_indirect_dma semaphore(%arg8 : memref<!tpu.dma_semaphore, #tpu.memory_space<semaphore_mem>>) src(%dma_wait3A_15 : memref<8832x64xf32, #tpu.memory_space<hbm>>) dst(%arg6 : memref<640x64xf32, #tpu.memory_space<vmem>>)
    %add3A_16 = arith.constant 0 : i32
    %add3A_17 = arith.addi %mul3A_2, %add3A_16 : i32
    "tpu.region"() ({
      %run_scoped3A = tpu.sem_alloc : memref<!tpu.dma_semaphore, #tpu.memory_space<semaphore_mem>>
      %dma_start3A_97 = arith.constant 0 : i32
      %dma_start3A_98 = tpu.memref_slice %arg4[%add3A_17, %dma_start3A_97] : memref<163840x64xf32, #tpu.memory_space<hbm>> -> memref<640x64xf32, #tpu.memory_space<hbm>>
      %dma_start3A_99 = arith.constant 0 : i32
      %dma_start3A_100 = tpu.memref_slice %arg4[%add3A_17, %dma_start3A_99] : memref<163840x64xf32, #tpu.memory_space<hbm>> -> memref<640x64xf32, #tpu.memory_space<hbm>>
      tpu.enqueue_dma source(%arg6 : memref<640x64xf32, #tpu.memory_space<vmem>>) target(%dma_start3A_100 : memref<640x64xf32, #tpu.memory_space<hbm>>) target_semaphore(%run_scoped3A : memref<!tpu.dma_semaphore, #tpu.memory_space<semaphore_mem>>)
      %dma_wait3A_101 = arith.constant 0 : i32
      %dma_wait3A_102 = tpu.memref_slice %arg4[%add3A_17, %dma_wait3A_101] : memref<163840x64xf32, #tpu.memory_space<hbm>> -> memref<640x64xf32, #tpu.memory_space<hbm>>
      %dma_wait3A_103 = arith.constant 0 : i32
      %dma_wait3A_104 = tpu.memref_slice %arg4[%add3A_17, %dma_wait3A_103] : memref<163840x64xf32, #tpu.memory_space<hbm>> -> memref<640x64xf32, #tpu.memory_space<hbm>>
      tpu.wait_dma2 semaphore(%run_scoped3A : memref<!tpu.dma_semaphore, #tpu.memory_space<semaphore_mem>>) src(%arg6 : memref<640x64xf32, #tpu.memory_space<vmem>>) dst(%dma_wait3A_104 : memref<640x64xf32, #tpu.memory_space<hbm>>)
      tpu.yield
    }) : () -> ()
    %dma_start3A_18 = arith.constant 1280 : i32
    %dma_start3A_19 = tpu.memref_slice %arg5[%dma_start3A_18] : memref<5120xi32, #tpu.memory_space<vmem>> -> memref<640xi32, #tpu.memory_space<vmem>>
    %dma_start3A_20 = arith.constant 0 : i32
    %dma_start3A_21 = arith.constant 0 : i32
    %dma_start3A_22 = tpu.memref_slice %arg2[%dma_start3A_20, %dma_start3A_21] : memref<8832x64xf32, #tpu.memory_space<hbm>> -> memref<8832x64xf32, #tpu.memory_space<hbm>>
    tpu.enqueue_indirect_dma source(%dma_start3A_22 : memref<8832x64xf32, #tpu.memory_space<hbm>>) target(%arg6 : memref<640x64xf32, #tpu.memory_space<vmem>>) offsets(%dma_start3A_19 : memref<640xi32, #tpu.memory_space<vmem>>) semaphore(%arg8 : memref<!tpu.dma_semaphore, #tpu.memory_space<semaphore_mem>>)
    %dma_wait3A_23 = arith.constant 640 : i32
    %dma_wait3A_24 = tpu.memref_slice %arg5[%dma_wait3A_23] : memref<5120xi32, #tpu.memory_space<vmem>> -> memref<640xi32, #tpu.memory_space<vmem>>
    %dma_wait3A_25 = arith.constant 0 : i32
    %dma_wait3A_26 = arith.constant 0 : i32
    %dma_wait3A_27 = tpu.memref_slice %arg2[%dma_wait3A_25, %dma_wait3A_26] : memref<8832x64xf32, #tpu.memory_space<hbm>> -> memref<8832x64xf32, #tpu.memory_space<hbm>>
    tpu.wait_indirect_dma semaphore(%arg9 : memref<!tpu.dma_semaphore, #tpu.memory_space<semaphore_mem>>) src(%dma_wait3A_27 : memref<8832x64xf32, #tpu.memory_space<hbm>>) dst(%arg7 : memref<640x64xf32, #tpu.memory_space<vmem>>)
    %add3A_28 = arith.constant 640 : i32
    %add3A_29 = arith.addi %mul3A_2, %add3A_28 : i32
    "tpu.region"() ({
      %run_scoped3A = tpu.sem_alloc : memref<!tpu.dma_semaphore, #tpu.memory_space<semaphore_mem>>
      %dma_start3A_97 = arith.constant 0 : i32
      %dma_start3A_98 = tpu.memref_slice %arg4[%add3A_29, %dma_start3A_97] : memref<163840x64xf32, #tpu.memory_space<hbm>> -> memref<640x64xf32, #tpu.memory_space<hbm>>
      %dma_start3A_99 = arith.constant 0 : i32
      %dma_start3A_100 = tpu.memref_slice %arg4[%add3A_29, %dma_start3A_99] : memref<163840x64xf32, #tpu.memory_space<hbm>> -> memref<640x64xf32, #tpu.memory_space<hbm>>
      tpu.enqueue_dma source(%arg7 : memref<640x64xf32, #tpu.memory_space<vmem>>) target(%dma_start3A_100 : memref<640x64xf32, #tpu.memory_space<hbm>>) target_semaphore(%run_scoped3A : memref<!tpu.dma_semaphore, #tpu.memory_space<semaphore_mem>>)
      %dma_wait3A_101 = arith.constant 0 : i32
      %dma_wait3A_102 = tpu.memref_slice %arg4[%add3A_29, %dma_wait3A_101] : memref<163840x64xf32, #tpu.memory_space<hbm>> -> memref<640x64xf32, #tpu.memory_space<hbm>>
      %dma_wait3A_103 = arith.constant 0 : i32
      %dma_wait3A_104 = tpu.memref_slice %arg4[%add3A_29, %dma_wait3A_103] : memref<163840x64xf32, #tpu.memory_space<hbm>> -> memref<640x64xf32, #tpu.memory_space<hbm>>
      tpu.wait_dma2 semaphore(%run_scoped3A : memref<!tpu.dma_semaphore, #tpu.memory_space<semaphore_mem>>) src(%arg7 : memref<640x64xf32, #tpu.memory_space<vmem>>) dst(%dma_wait3A_104 : memref<640x64xf32, #tpu.memory_space<hbm>>)
      tpu.yield
    }) : () -> ()
    %dma_start3A_30 = arith.constant 1920 : i32
    %dma_start3A_31 = tpu.memref_slice %arg5[%dma_start3A_30] : memref<5120xi32, #tpu.memory_space<vmem>> -> memref<640xi32, #tpu.memory_space<vmem>>
    %dma_start3A_32 = arith.constant 0 : i32
    %dma_start3A_33 = arith.constant 0 : i32
    %dma_start3A_34 = tpu.memref_slice %arg2[%dma_start3A_32, %dma_start3A_33] : memref<8832x64xf32, #tpu.memory_space<hbm>> -> memref<8832x64xf32, #tpu.memory_space<hbm>>
    tpu.enqueue_indirect_dma source(%dma_start3A_34 : memref<8832x64xf32, #tpu.memory_space<hbm>>) target(%arg7 : memref<640x64xf32, #tpu.memory_space<vmem>>) offsets(%dma_start3A_31 : memref<640xi32, #tpu.memory_space<vmem>>) semaphore(%arg9 : memref<!tpu.dma_semaphore, #tpu.memory_space<semaphore_mem>>)
    %dma_wait3A_35 = arith.constant 1280 : i32
    %dma_wait3A_36 = tpu.memref_slice %arg5[%dma_wait3A_35] : memref<5120xi32, #tpu.memory_space<vmem>> -> memref<640xi32, #tpu.memory_space<vmem>>
    %dma_wait3A_37 = arith.constant 0 : i32
    %dma_wait3A_38 = arith.constant 0 : i32
    %dma_wait3A_39 = tpu.memref_slice %arg2[%dma_wait3A_37, %dma_wait3A_38] : memref<8832x64xf32, #tpu.memory_space<hbm>> -> memref<8832x64xf32, #tpu.memory_space<hbm>>
    tpu.wait_indirect_dma semaphore(%arg8 : memref<!tpu.dma_semaphore, #tpu.memory_space<semaphore_mem>>) src(%dma_wait3A_39 : memref<8832x64xf32, #tpu.memory_space<hbm>>) dst(%arg6 : memref<640x64xf32, #tpu.memory_space<vmem>>)
    %add3A_40 = arith.constant 1280 : i32
    %add3A_41 = arith.addi %mul3A_2, %add3A_40 : i32
    "tpu.region"() ({
      %run_scoped3A = tpu.sem_alloc : memref<!tpu.dma_semaphore, #tpu.memory_space<semaphore_mem>>
      %dma_start3A_97 = arith.constant 0 : i32
      %dma_start3A_98 = tpu.memref_slice %arg4[%add3A_41, %dma_start3A_97] : memref<163840x64xf32, #tpu.memory_space<hbm>> -> memref<640x64xf32, #tpu.memory_space<hbm>>
      %dma_start3A_99 = arith.constant 0 : i32
      %dma_start3A_100 = tpu.memref_slice %arg4[%add3A_41, %dma_start3A_99] : memref<163840x64xf32, #tpu.memory_space<hbm>> -> memref<640x64xf32, #tpu.memory_space<hbm>>
      tpu.enqueue_dma source(%arg6 : memref<640x64xf32, #tpu.memory_space<vmem>>) target(%dma_start3A_100 : memref<640x64xf32, #tpu.memory_space<hbm>>) target_semaphore(%run_scoped3A : memref<!tpu.dma_semaphore, #tpu.memory_space<semaphore_mem>>)
      %dma_wait3A_101 = arith.constant 0 : i32
      %dma_wait3A_102 = tpu.memref_slice %arg4[%add3A_41, %dma_wait3A_101] : memref<163840x64xf32, #tpu.memory_space<hbm>> -> memref<640x64xf32, #tpu.memory_space<hbm>>
      %dma_wait3A_103 = arith.constant 0 : i32
      %dma_wait3A_104 = tpu.memref_slice %arg4[%add3A_41, %dma_wait3A_103] : memref<163840x64xf32, #tpu.memory_space<hbm>> -> memref<640x64xf32, #tpu.memory_space<hbm>>
      tpu.wait_dma2 semaphore(%run_scoped3A : memref<!tpu.dma_semaphore, #tpu.memory_space<semaphore_mem>>) src(%arg6 : memref<640x64xf32, #tpu.memory_space<vmem>>) dst(%dma_wait3A_104 : memref<640x64xf32, #tpu.memory_space<hbm>>)
      tpu.yield
    }) : () -> ()
    %dma_start3A_42 = arith.constant 2560 : i32
    %dma_start3A_43 = tpu.memref_slice %arg5[%dma_start3A_42] : memref<5120xi32, #tpu.memory_space<vmem>> -> memref<640xi32, #tpu.memory_space<vmem>>
    %dma_start3A_44 = arith.constant 0 : i32
    %dma_start3A_45 = arith.constant 0 : i32
    %dma_start3A_46 = tpu.memref_slice %arg2[%dma_start3A_44, %dma_start3A_45] : memref<8832x64xf32, #tpu.memory_space<hbm>> -> memref<8832x64xf32, #tpu.memory_space<hbm>>
    tpu.enqueue_indirect_dma source(%dma_start3A_46 : memref<8832x64xf32, #tpu.memory_space<hbm>>) target(%arg6 : memref<640x64xf32, #tpu.memory_space<vmem>>) offsets(%dma_start3A_43 : memref<640xi32, #tpu.memory_space<vmem>>) semaphore(%arg8 : memref<!tpu.dma_semaphore, #tpu.memory_space<semaphore_mem>>)
    %dma_wait3A_47 = arith.constant 1920 : i32
    %dma_wait3A_48 = tpu.memref_slice %arg5[%dma_wait3A_47] : memref<5120xi32, #tpu.memory_space<vmem>> -> memref<640xi32, #tpu.memory_space<vmem>>
    %dma_wait3A_49 = arith.constant 0 : i32
    %dma_wait3A_50 = arith.constant 0 : i32
    %dma_wait3A_51 = tpu.memref_slice %arg2[%dma_wait3A_49, %dma_wait3A_50] : memref<8832x64xf32, #tpu.memory_space<hbm>> -> memref<8832x64xf32, #tpu.memory_space<hbm>>
    tpu.wait_indirect_dma semaphore(%arg9 : memref<!tpu.dma_semaphore, #tpu.memory_space<semaphore_mem>>) src(%dma_wait3A_51 : memref<8832x64xf32, #tpu.memory_space<hbm>>) dst(%arg7 : memref<640x64xf32, #tpu.memory_space<vmem>>)
    %add3A_52 = arith.constant 1920 : i32
    %add3A_53 = arith.addi %mul3A_2, %add3A_52 : i32
    "tpu.region"() ({
      %run_scoped3A = tpu.sem_alloc : memref<!tpu.dma_semaphore, #tpu.memory_space<semaphore_mem>>
      %dma_start3A_97 = arith.constant 0 : i32
      %dma_start3A_98 = tpu.memref_slice %arg4[%add3A_53, %dma_start3A_97] : memref<163840x64xf32, #tpu.memory_space<hbm>> -> memref<640x64xf32, #tpu.memory_space<hbm>>
      %dma_start3A_99 = arith.constant 0 : i32
      %dma_start3A_100 = tpu.memref_slice %arg4[%add3A_53, %dma_start3A_99] : memref<163840x64xf32, #tpu.memory_space<hbm>> -> memref<640x64xf32, #tpu.memory_space<hbm>>
      tpu.enqueue_dma source(%arg7 : memref<640x64xf32, #tpu.memory_space<vmem>>) target(%dma_start3A_100 : memref<640x64xf32, #tpu.memory_space<hbm>>) target_semaphore(%run_scoped3A : memref<!tpu.dma_semaphore, #tpu.memory_space<semaphore_mem>>)
      %dma_wait3A_101 = arith.constant 0 : i32
      %dma_wait3A_102 = tpu.memref_slice %arg4[%add3A_53, %dma_wait3A_101] : memref<163840x64xf32, #tpu.memory_space<hbm>> -> memref<640x64xf32, #tpu.memory_space<hbm>>
      %dma_wait3A_103 = arith.constant 0 : i32
      %dma_wait3A_104 = tpu.memref_slice %arg4[%add3A_53, %dma_wait3A_103] : memref<163840x64xf32, #tpu.memory_space<hbm>> -> memref<640x64xf32, #tpu.memory_space<hbm>>
      tpu.wait_dma2 semaphore(%run_scoped3A : memref<!tpu.dma_semaphore, #tpu.memory_space<semaphore_mem>>) src(%arg7 : memref<640x64xf32, #tpu.memory_space<vmem>>) dst(%dma_wait3A_104 : memref<640x64xf32, #tpu.memory_space<hbm>>)
      tpu.yield
    }) : () -> ()
    %dma_start3A_54 = arith.constant 3200 : i32
    %dma_start3A_55 = tpu.memref_slice %arg5[%dma_start3A_54] : memref<5120xi32, #tpu.memory_space<vmem>> -> memref<640xi32, #tpu.memory_space<vmem>>
    %dma_start3A_56 = arith.constant 0 : i32
    %dma_start3A_57 = arith.constant 0 : i32
    %dma_start3A_58 = tpu.memref_slice %arg2[%dma_start3A_56, %dma_start3A_57] : memref<8832x64xf32, #tpu.memory_space<hbm>> -> memref<8832x64xf32, #tpu.memory_space<hbm>>
    tpu.enqueue_indirect_dma source(%dma_start3A_58 : memref<8832x64xf32, #tpu.memory_space<hbm>>) target(%arg7 : memref<640x64xf32, #tpu.memory_space<vmem>>) offsets(%dma_start3A_55 : memref<640xi32, #tpu.memory_space<vmem>>) semaphore(%arg9 : memref<!tpu.dma_semaphore, #tpu.memory_space<semaphore_mem>>)
    %dma_wait3A_59 = arith.constant 2560 : i32
    %dma_wait3A_60 = tpu.memref_slice %arg5[%dma_wait3A_59] : memref<5120xi32, #tpu.memory_space<vmem>> -> memref<640xi32, #tpu.memory_space<vmem>>
    %dma_wait3A_61 = arith.constant 0 : i32
    %dma_wait3A_62 = arith.constant 0 : i32
    %dma_wait3A_63 = tpu.memref_slice %arg2[%dma_wait3A_61, %dma_wait3A_62] : memref<8832x64xf32, #tpu.memory_space<hbm>> -> memref<8832x64xf32, #tpu.memory_space<hbm>>
    tpu.wait_indirect_dma semaphore(%arg8 : memref<!tpu.dma_semaphore, #tpu.memory_space<semaphore_mem>>) src(%dma_wait3A_63 : memref<8832x64xf32, #tpu.memory_space<hbm>>) dst(%arg6 : memref<640x64xf32, #tpu.memory_space<vmem>>)
    %add3A_64 = arith.constant 2560 : i32
    %add3A_65 = arith.addi %mul3A_2, %add3A_64 : i32
    "tpu.region"() ({
      %run_scoped3A = tpu.sem_alloc : memref<!tpu.dma_semaphore, #tpu.memory_space<semaphore_mem>>
      %dma_start3A_97 = arith.constant 0 : i32
      %dma_start3A_98 = tpu.memref_slice %arg4[%add3A_65, %dma_start3A_97] : memref<163840x64xf32, #tpu.memory_space<hbm>> -> memref<640x64xf32, #tpu.memory_space<hbm>>
      %dma_start3A_99 = arith.constant 0 : i32
      %dma_start3A_100 = tpu.memref_slice %arg4[%add3A_65, %dma_start3A_99] : memref<163840x64xf32, #tpu.memory_space<hbm>> -> memref<640x64xf32, #tpu.memory_space<hbm>>
      tpu.enqueue_dma source(%arg6 : memref<640x64xf32, #tpu.memory_space<vmem>>) target(%dma_start3A_100 : memref<640x64xf32, #tpu.memory_space<hbm>>) target_semaphore(%run_scoped3A : memref<!tpu.dma_semaphore, #tpu.memory_space<semaphore_mem>>)
      %dma_wait3A_101 = arith.constant 0 : i32
      %dma_wait3A_102 = tpu.memref_slice %arg4[%add3A_65, %dma_wait3A_101] : memref<163840x64xf32, #tpu.memory_space<hbm>> -> memref<640x64xf32, #tpu.memory_space<hbm>>
      %dma_wait3A_103 = arith.constant 0 : i32
      %dma_wait3A_104 = tpu.memref_slice %arg4[%add3A_65, %dma_wait3A_103] : memref<163840x64xf32, #tpu.memory_space<hbm>> -> memref<640x64xf32, #tpu.memory_space<hbm>>
      tpu.wait_dma2 semaphore(%run_scoped3A : memref<!tpu.dma_semaphore, #tpu.memory_space<semaphore_mem>>) src(%arg6 : memref<640x64xf32, #tpu.memory_space<vmem>>) dst(%dma_wait3A_104 : memref<640x64xf32, #tpu.memory_space<hbm>>)
      tpu.yield
    }) : () -> ()
    %dma_start3A_66 = arith.constant 3840 : i32
    %dma_start3A_67 = tpu.memref_slice %arg5[%dma_start3A_66] : memref<5120xi32, #tpu.memory_space<vmem>> -> memref<640xi32, #tpu.memory_space<vmem>>
    %dma_start3A_68 = arith.constant 0 : i32
    %dma_start3A_69 = arith.constant 0 : i32
    %dma_start3A_70 = tpu.memref_slice %arg2[%dma_start3A_68, %dma_start3A_69] : memref<8832x64xf32, #tpu.memory_space<hbm>> -> memref<8832x64xf32, #tpu.memory_space<hbm>>
    tpu.enqueue_indirect_dma source(%dma_start3A_70 : memref<8832x64xf32, #tpu.memory_space<hbm>>) target(%arg6 : memref<640x64xf32, #tpu.memory_space<vmem>>) offsets(%dma_start3A_67 : memref<640xi32, #tpu.memory_space<vmem>>) semaphore(%arg8 : memref<!tpu.dma_semaphore, #tpu.memory_space<semaphore_mem>>)
    %dma_wait3A_71 = arith.constant 3200 : i32
    %dma_wait3A_72 = tpu.memref_slice %arg5[%dma_wait3A_71] : memref<5120xi32, #tpu.memory_space<vmem>> -> memref<640xi32, #tpu.memory_space<vmem>>
    %dma_wait3A_73 = arith.constant 0 : i32
    %dma_wait3A_74 = arith.constant 0 : i32
    %dma_wait3A_75 = tpu.memref_slice %arg2[%dma_wait3A_73, %dma_wait3A_74] : memref<8832x64xf32, #tpu.memory_space<hbm>> -> memref<8832x64xf32, #tpu.memory_space<hbm>>
    tpu.wait_indirect_dma semaphore(%arg9 : memref<!tpu.dma_semaphore, #tpu.memory_space<semaphore_mem>>) src(%dma_wait3A_75 : memref<8832x64xf32, #tpu.memory_space<hbm>>) dst(%arg7 : memref<640x64xf32, #tpu.memory_space<vmem>>)
    %add3A_76 = arith.constant 3200 : i32
    %add3A_77 = arith.addi %mul3A_2, %add3A_76 : i32
    "tpu.region"() ({
      %run_scoped3A = tpu.sem_alloc : memref<!tpu.dma_semaphore, #tpu.memory_space<semaphore_mem>>
      %dma_start3A_97 = arith.constant 0 : i32
      %dma_start3A_98 = tpu.memref_slice %arg4[%add3A_77, %dma_start3A_97] : memref<163840x64xf32, #tpu.memory_space<hbm>> -> memref<640x64xf32, #tpu.memory_space<hbm>>
      %dma_start3A_99 = arith.constant 0 : i32
      %dma_start3A_100 = tpu.memref_slice %arg4[%add3A_77, %dma_start3A_99] : memref<163840x64xf32, #tpu.memory_space<hbm>> -> memref<640x64xf32, #tpu.memory_space<hbm>>
      tpu.enqueue_dma source(%arg7 : memref<640x64xf32, #tpu.memory_space<vmem>>) target(%dma_start3A_100 : memref<640x64xf32, #tpu.memory_space<hbm>>) target_semaphore(%run_scoped3A : memref<!tpu.dma_semaphore, #tpu.memory_space<semaphore_mem>>)
      %dma_wait3A_101 = arith.constant 0 : i32
      %dma_wait3A_102 = tpu.memref_slice %arg4[%add3A_77, %dma_wait3A_101] : memref<163840x64xf32, #tpu.memory_space<hbm>> -> memref<640x64xf32, #tpu.memory_space<hbm>>
      %dma_wait3A_103 = arith.constant 0 : i32
      %dma_wait3A_104 = tpu.memref_slice %arg4[%add3A_77, %dma_wait3A_103] : memref<163840x64xf32, #tpu.memory_space<hbm>> -> memref<640x64xf32, #tpu.memory_space<hbm>>
      tpu.wait_dma2 semaphore(%run_scoped3A : memref<!tpu.dma_semaphore, #tpu.memory_space<semaphore_mem>>) src(%arg7 : memref<640x64xf32, #tpu.memory_space<vmem>>) dst(%dma_wait3A_104 : memref<640x64xf32, #tpu.memory_space<hbm>>)
      tpu.yield
    }) : () -> ()
    %dma_start3A_78 = arith.constant 4480 : i32
    %dma_start3A_79 = tpu.memref_slice %arg5[%dma_start3A_78] : memref<5120xi32, #tpu.memory_space<vmem>> -> memref<640xi32, #tpu.memory_space<vmem>>
    %dma_start3A_80 = arith.constant 0 : i32
    %dma_start3A_81 = arith.constant 0 : i32
    %dma_start3A_82 = tpu.memref_slice %arg2[%dma_start3A_80, %dma_start3A_81] : memref<8832x64xf32, #tpu.memory_space<hbm>> -> memref<8832x64xf32, #tpu.memory_space<hbm>>
    tpu.enqueue_indirect_dma source(%dma_start3A_82 : memref<8832x64xf32, #tpu.memory_space<hbm>>) target(%arg7 : memref<640x64xf32, #tpu.memory_space<vmem>>) offsets(%dma_start3A_79 : memref<640xi32, #tpu.memory_space<vmem>>) semaphore(%arg9 : memref<!tpu.dma_semaphore, #tpu.memory_space<semaphore_mem>>)
    %dma_wait3A_83 = arith.constant 3840 : i32
    %dma_wait3A_84 = tpu.memref_slice %arg5[%dma_wait3A_83] : memref<5120xi32, #tpu.memory_space<vmem>> -> memref<640xi32, #tpu.memory_space<vmem>>
    %dma_wait3A_85 = arith.constant 0 : i32
    %dma_wait3A_86 = arith.constant 0 : i32
    %dma_wait3A_87 = tpu.memref_slice %arg2[%dma_wait3A_85, %dma_wait3A_86] : memref<8832x64xf32, #tpu.memory_space<hbm>> -> memref<8832x64xf32, #tpu.memory_space<hbm>>
    tpu.wait_indirect_dma semaphore(%arg8 : memref<!tpu.dma_semaphore, #tpu.memory_space<semaphore_mem>>) src(%dma_wait3A_87 : memref<8832x64xf32, #tpu.memory_space<hbm>>) dst(%arg6 : memref<640x64xf32, #tpu.memory_space<vmem>>)
    %add3A_88 = arith.constant 3840 : i32
    %add3A_89 = arith.addi %mul3A_2, %add3A_88 : i32
    "tpu.region"() ({
      %run_scoped3A = tpu.sem_alloc : memref<!tpu.dma_semaphore, #tpu.memory_space<semaphore_mem>>
      %dma_start3A_97 = arith.constant 0 : i32
      %dma_start3A_98 = tpu.memref_slice %arg4[%add3A_89, %dma_start3A_97] : memref<163840x64xf32, #tpu.memory_space<hbm>> -> memref<640x64xf32, #tpu.memory_space<hbm>>
      %dma_start3A_99 = arith.constant 0 : i32
      %dma_start3A_100 = tpu.memref_slice %arg4[%add3A_89, %dma_start3A_99] : memref<163840x64xf32, #tpu.memory_space<hbm>> -> memref<640x64xf32, #tpu.memory_space<hbm>>
      tpu.enqueue_dma source(%arg6 : memref<640x64xf32, #tpu.memory_space<vmem>>) target(%dma_start3A_100 : memref<640x64xf32, #tpu.memory_space<hbm>>) target_semaphore(%run_scoped3A : memref<!tpu.dma_semaphore, #tpu.memory_space<semaphore_mem>>)
      %dma_wait3A_101 = arith.constant 0 : i32
      %dma_wait3A_102 = tpu.memref_slice %arg4[%add3A_89, %dma_wait3A_101] : memref<163840x64xf32, #tpu.memory_space<hbm>> -> memref<640x64xf32, #tpu.memory_space<hbm>>
      %dma_wait3A_103 = arith.constant 0 : i32
      %dma_wait3A_104 = tpu.memref_slice %arg4[%add3A_89, %dma_wait3A_103] : memref<163840x64xf32, #tpu.memory_space<hbm>> -> memref<640x64xf32, #tpu.memory_space<hbm>>
      tpu.wait_dma2 semaphore(%run_scoped3A : memref<!tpu.dma_semaphore, #tpu.memory_space<semaphore_mem>>) src(%arg6 : memref<640x64xf32, #tpu.memory_space<vmem>>) dst(%dma_wait3A_104 : memref<640x64xf32, #tpu.memory_space<hbm>>)
      tpu.yield
    }) : () -> ()
    %dma_wait3A_90 = arith.constant 4480 : i32
    %dma_wait3A_91 = tpu.memref_slice %arg5[%dma_wait3A_90] : memref<5120xi32, #tpu.memory_space<vmem>> -> memref<640xi32, #tpu.memory_space<vmem>>
    %dma_wait3A_92 = arith.constant 0 : i32
    %dma_wait3A_93 = arith.constant 0 : i32
    %dma_wait3A_94 = tpu.memref_slice %arg2[%dma_wait3A_92, %dma_wait3A_93] : memref<8832x64xf32, #tpu.memory_space<hbm>> -> memref<8832x64xf32, #tpu.memory_space<hbm>>
    tpu.wait_indirect_dma semaphore(%arg9 : memref<!tpu.dma_semaphore, #tpu.memory_space<semaphore_mem>>) src(%dma_wait3A_94 : memref<8832x64xf32, #tpu.memory_space<hbm>>) dst(%arg7 : memref<640x64xf32, #tpu.memory_space<vmem>>)
    %add3A_95 = arith.constant 4480 : i32
    %add3A_96 = arith.addi %mul3A_2, %add3A_95 : i32
    "tpu.region"() ({
      %run_scoped3A = tpu.sem_alloc : memref<!tpu.dma_semaphore, #tpu.memory_space<semaphore_mem>>
      %dma_start3A_97 = arith.constant 0 : i32
      %dma_start3A_98 = tpu.memref_slice %arg4[%add3A_96, %dma_start3A_97] : memref<163840x64xf32, #tpu.memory_space<hbm>> -> memref<640x64xf32, #tpu.memory_space<hbm>>
      %dma_start3A_99 = arith.constant 0 : i32
      %dma_start3A_100 = tpu.memref_slice %arg4[%add3A_96, %dma_start3A_99] : memref<163840x64xf32, #tpu.memory_space<hbm>> -> memref<640x64xf32, #tpu.memory_space<hbm>>
      tpu.enqueue_dma source(%arg7 : memref<640x64xf32, #tpu.memory_space<vmem>>) target(%dma_start3A_100 : memref<640x64xf32, #tpu.memory_space<hbm>>) target_semaphore(%run_scoped3A : memref<!tpu.dma_semaphore, #tpu.memory_space<semaphore_mem>>)
      %dma_wait3A_101 = arith.constant 0 : i32
      %dma_wait3A_102 = tpu.memref_slice %arg4[%add3A_96, %dma_wait3A_101] : memref<163840x64xf32, #tpu.memory_space<hbm>> -> memref<640x64xf32, #tpu.memory_space<hbm>>
      %dma_wait3A_103 = arith.constant 0 : i32
      %dma_wait3A_104 = tpu.memref_slice %arg4[%add3A_96, %dma_wait3A_103] : memref<163840x64xf32, #tpu.memory_space<hbm>> -> memref<640x64xf32, #tpu.memory_space<hbm>>
      tpu.wait_dma2 semaphore(%run_scoped3A : memref<!tpu.dma_semaphore, #tpu.memory_space<semaphore_mem>>) src(%arg7 : memref<640x64xf32, #tpu.memory_space<vmem>>) dst(%dma_wait3A_104 : memref<640x64xf32, #tpu.memory_space<hbm>>)
      tpu.yield
    }) : () -> ()
    return
  }
}

module attributes {stable_mosaic.version = 14 : i64} {
  func.func @_knn_body(%arg0: i32, %arg1: memref<17xi32, #tpu.memory_space<smem>>, %arg2: memref<8832x8xf32, #tpu.memory_space<vmem>>, %arg3: memref<8832x20xi32, #tpu.memory_space<vmem>>, %arg4: memref<640x640xf32, #tpu.memory_space<vmem>>) attributes {dimension_semantics = [#tpu.dimension_semantics<arbitrary>], iteration_bounds = array<i64: 16>, scalar_prefetch = 1 : i64, scratch_operands = 1 : i64, tpu.core_type = #tpu.core_type<tc>, window_params = [{pipeline_mode = #tpu.pipeline_mode<synchronous>, transform_indices = @transform_0, window_bounds = array<i64: 8832, 8>}, {pipeline_mode = #tpu.pipeline_mode<synchronous>, transform_indices = @transform_1, window_bounds = array<i64: 8832, 20>}]} {
    %get3A = arith.index_cast %arg0 : i32 to index
    %get3A_0 = memref.load %arg1[%get3A] : memref<17xi32, #tpu.memory_space<smem>>
    %add3A = arith.constant 1 : i32
    %add3A_1 = arith.addi %arg0, %add3A : i32
    %get3A_2 = arith.index_cast %add3A_1 : i32 to index
    %get3A_3 = memref.load %arg1[%get3A_2] : memref<17xi32, #tpu.memory_space<smem>>
    %sub3A = arith.subi %get3A_3, %get3A_0 : i32
    %get3A_4 = arith.index_cast %get3A_0 : i32 to index
    %get3A_5 = arith.constant 0 : index
    %get3A_6 = vector.load %arg2[%get3A_4, %get3A_5] : memref<8832x8xf32, #tpu.memory_space<vmem>>, vector<640x8xf32>
    %mul3A = arith.mulf %get3A_6, %get3A_6 : vector<640x8xf32>
    %reduce_sum3A = arith.constant dense<0.000000e+00> : vector<640xf32>
    %reduce_sum3A_7 = vector.multi_reduction <add>, %mul3A, %reduce_sum3A [1] : vector<640x8xf32> to vector<640xf32>
    %broadcast_in_dim3A = vector.shape_cast %reduce_sum3A_7 : vector<640xf32> to vector<640x1xf32>
    %dot_general3A = arith.constant dense<0.000000e+00> : vector<640x640xf32>
    %dot_general3A_8 = tpu.matmul %get3A_6, %get3A_6, %dot_general3A {dimension_numbers = #tpu.dot_dimension_numbers<[1], [1], [0], [0], [0, 0, 1, 0], [], []>, transpose_lhs_hint = false} : vector<640x8xf32>, vector<640x8xf32>, vector<640x640xf32> -> vector<640x640xf32>
    %mul3A_9 = arith.constant 2.000000e+00 : f32
    %mul3A_10 = vector.broadcast %mul3A_9 : f32 to vector<640x640xf32>
    %mul3A_11 = arith.mulf %mul3A_10, %dot_general3A_8 : vector<640x640xf32>
    %sub3A_12 = vector.broadcast %broadcast_in_dim3A : vector<640x1xf32> to vector<640x640xf32>
    %sub3A_13 = arith.subf %sub3A_12, %mul3A_11 : vector<640x640xf32>
    %transpose3A = tpu.transpose %broadcast_in_dim3A, [1, 0] : vector<640x1xf32> -> vector<1x640xf32>
    %add3A_14 = vector.broadcast %transpose3A : vector<1x640xf32> to vector<640x640xf32>
    %add3A_15 = arith.addf %sub3A_13, %add3A_14 : vector<640x640xf32>
    %iota3A = tpu.iota {dimensions = array<i32: 1>} : vector<1x640xi32>
    %lt3A = vector.broadcast %sub3A : i32 to vector<1x640xi32>
    %lt3A_16 = arith.cmpi slt, %iota3A, %lt3A : vector<1x640xi32>
    %jit3A = arith.constant 3.000000e+38 : f32
    %broadcast_in_dim3A_17 = vector.shape_cast %lt3A_16 : vector<1x640xi1> to vector<1x640xi1>
    %broadcast_in_dim3A_18 = vector.broadcast %broadcast_in_dim3A_17 : vector<1x640xi1> to vector<640x640xi1>
    %broadcast_in_dim3A_19 = vector.broadcast %jit3A : f32 to vector<640x640xf32>
    %select_n3A = arith.select %broadcast_in_dim3A_18, %add3A_15, %broadcast_in_dim3A_19 : vector<640x640xi1>, vector<640x640xf32>
    %swap3A = arith.constant 0 : index
    %swap3A_20 = arith.constant 0 : index
    %swap3A_21 = vector.load %arg4[%swap3A, %swap3A_20] : memref<640x640xf32, #tpu.memory_space<vmem>>, vector<640x640xf32>
    tpu.vector_store %arg4[%swap3A, %swap3A_20], %select_n3A {strides = array<i32>} : memref<640x640xf32, #tpu.memory_space<vmem>>, vector<640x640xf32>,
    %iota3A_22 = tpu.iota {dimensions = array<i32: 1>} : vector<1x20xi32>
    %broadcast_in_dim3A_23 = arith.constant 0 : i32
    %broadcast_in_dim3A_24 = vector.broadcast %broadcast_in_dim3A_23 : i32 to vector<640x20xi32>
    %scan3A = arith.constant 3.000000e+38 : f32
    %scan3A_25 = arith.constant 0 : i32
    %scan3A_26 = arith.constant 20 : i32
    %scan3A_27 = arith.addi %scan3A_25, %scan3A_26 : i32
    %scan3A_28 = arith.constant 1 : i32
    %scan3A_29 = scf.for %scan3A_36 = %scan3A_25 to %scan3A_27 step %scan3A_28 iter_args(%scan3A_37 = %broadcast_in_dim3A_24) -> (vector<640x20xi32>)  : i32 {
      %get3A_38 = arith.constant 0 : index
      %get3A_39 = arith.constant 0 : index
      %get3A_40 = vector.load %arg4[%get3A_38, %get3A_39] : memref<640x640xf32, #tpu.memory_space<vmem>>, vector<640x640xf32>
      %reduce_min3A = arith.constant dense<0x7F800000> : vector<640xf32>
      %reduce_min3A_41 = vector.multi_reduction <minimumf>, %get3A_40, %reduce_min3A [1] : vector<640x640xf32> to vector<640xf32>
      %broadcast_in_dim3A_42 = vector.shape_cast %reduce_min3A_41 : vector<640xf32> to vector<640x1xf32>
      %le3A = vector.broadcast %broadcast_in_dim3A_42 : vector<640x1xf32> to vector<640x640xf32>
      %le3A_43 = arith.cmpf ole, %get3A_40, %le3A : vector<640x640xf32>
      %jit3A_44 = arith.constant 640 : i32
      %broadcast_in_dim3A_45 = vector.shape_cast %iota3A : vector<1x640xi32> to vector<1x640xi32>
      %broadcast_in_dim3A_46 = vector.broadcast %broadcast_in_dim3A_45 : vector<1x640xi32> to vector<640x640xi32>
      %broadcast_in_dim3A_47 = vector.broadcast %jit3A_44 : i32 to vector<640x640xi32>
      %select_n3A_48 = arith.select %le3A_43, %broadcast_in_dim3A_46, %broadcast_in_dim3A_47 : vector<640x640xi1>, vector<640x640xi32>
      %reduce_min3A_49 = arith.constant dense<2147483647> : vector<640xi32>
      %reduce_min3A_50 = vector.multi_reduction <minsi>, %select_n3A_48, %reduce_min3A_49 [1] : vector<640x640xi32> to vector<640xi32>
      %broadcast_in_dim3A_51 = vector.shape_cast %reduce_min3A_50 : vector<640xi32> to vector<640x1xi32>
      %eq3A = vector.broadcast %iota3A : vector<1x640xi32> to vector<640x640xi32>
      %eq3A_52 = vector.broadcast %broadcast_in_dim3A_51 : vector<640x1xi32> to vector<640x640xi32>
      %eq3A_53 = arith.cmpi eq, %eq3A, %eq3A_52 : vector<640x640xi32>
      %broadcast_in_dim3A_54 = vector.broadcast %scan3A : f32 to vector<640x640xf32>
      %select_n3A_55 = arith.select %eq3A_53, %broadcast_in_dim3A_54, %get3A_40 : vector<640x640xi1>, vector<640x640xf32>
      %swap3A_56 = arith.constant 0 : index
      %swap3A_57 = arith.constant 0 : index
      %swap3A_58 = vector.load %arg4[%swap3A_56, %swap3A_57] : memref<640x640xf32, #tpu.memory_space<vmem>>, vector<640x640xf32>
      tpu.vector_store %arg4[%swap3A_56, %swap3A_57], %select_n3A_55 {strides = array<i32>} : memref<640x640xf32, #tpu.memory_space<vmem>>, vector<640x640xf32>,
      %eq3A_59 = vector.broadcast %scan3A_36 : i32 to vector<1x20xi32>
      %eq3A_60 = arith.cmpi eq, %iota3A_22, %eq3A_59 : vector<1x20xi32>
      %broadcast_in_dim3A_61 = vector.shape_cast %eq3A_60 : vector<1x20xi1> to vector<1x20xi1>
      %broadcast_in_dim3A_62 = vector.broadcast %broadcast_in_dim3A_61 : vector<1x20xi1> to vector<640x20xi1>
      %broadcast_in_dim3A_63 = vector.shape_cast %broadcast_in_dim3A_51 : vector<640x1xi32> to vector<640x1xi32>
      %broadcast_in_dim3A_64 = vector.broadcast %broadcast_in_dim3A_63 : vector<640x1xi32> to vector<640x20xi32>
      %select_n3A_65 = arith.select %broadcast_in_dim3A_62, %broadcast_in_dim3A_64, %scan3A_37 : vector<640x20xi1>, vector<640x20xi32>
      scf.yield %select_n3A_65 : vector<640x20xi32>
    }
    %scan3A_30 = arith.constant 20 : i32
    %add3A_31 = vector.broadcast %get3A_0 : i32 to vector<640x20xi32>
    %add3A_32 = arith.addi %scan3A_29, %add3A_31 : vector<640x20xi32>
    %swap3A_33 = arith.index_cast %get3A_0 : i32 to index
    %swap3A_34 = arith.constant 0 : index
    %swap3A_35 = vector.load %arg3[%swap3A_33, %swap3A_34] : memref<8832x20xi32, #tpu.memory_space<vmem>>, vector<640x20xi32>
    tpu.vector_store %arg3[%swap3A_33, %swap3A_34], %add3A_32 {strides = array<i32>} : memref<8832x20xi32, #tpu.memory_space<vmem>>, vector<640x20xi32>,
    return
  }
  func.func @transform_0(%arg0: i32, %arg1: memref<17xi32, #tpu.memory_space<smem>>) -> (i32, i32) {
    %c0_i32 = arith.constant 0 : i32
    %c0_i32_0 = arith.constant 0 : i32
    %c0_i32_1 = arith.constant 0 : i32
    return %c0_i32, %c0_i32_0 : i32, i32
  }
  func.func @transform_1(%arg0: i32, %arg1: memref<17xi32, #tpu.memory_space<smem>>) -> (i32, i32) {
    %c0_i32 = arith.constant 0 : i32
    %c0_i32_0 = arith.constant 0 : i32
    %c0_i32_1 = arith.constant 0 : i32
    return %c0_i32, %c0_i32_0 : i32, i32
  }
}

module attributes {stable_mosaic.version = 14 : i64} {
  func.func @_edge1_body(%arg0: i32, %arg1: memref<512x8xf32, #tpu.memory_space<vmem>>, %arg2: memref<512x160xf32, #tpu.memory_space<vmem>>, %arg3: memref<8x64xf32, #tpu.memory_space<vmem>>, %arg4: memref<1x64xf32, #tpu.memory_space<vmem>>, %arg5: memref<1x64xf32, #tpu.memory_space<vmem>>, %arg6: memref<1x64xf32, #tpu.memory_space<vmem>>, %arg7: memref<1x64xf32, #tpu.memory_space<vmem>>, %arg8: memref<1x64xf32, #tpu.memory_space<vmem>>, %arg9: memref<64x64xf32, #tpu.memory_space<vmem>>, %arg10: memref<1x64xf32, #tpu.memory_space<vmem>>, %arg11: memref<1x64xf32, #tpu.memory_space<vmem>>, %arg12: memref<1x64xf32, #tpu.memory_space<vmem>>, %arg13: memref<1x64xf32, #tpu.memory_space<vmem>>, %arg14: memref<1x64xf32, #tpu.memory_space<vmem>>, %arg15: memref<64x64xf32, #tpu.memory_space<vmem>>, %arg16: memref<1x64xf32, #tpu.memory_space<vmem>>, %arg17: memref<512x64xf32, #tpu.memory_space<vmem>>) attributes {dimension_semantics = [#tpu.dimension_semantics<arbitrary>], iteration_bounds = array<i64: 16>, scalar_prefetch = 0 : i64, scratch_operands = 0 : i64, tpu.core_type = #tpu.core_type<tc>, window_params = [{transform_indices = @transform_0, window_bounds = array<i64: 512, 8>}, {transform_indices = @transform_1, window_bounds = array<i64: 512, 160>}, {pipeline_mode = #tpu.pipeline_mode<synchronous>, transform_indices = @transform_2, window_bounds = array<i64: 8, 64>}, {pipeline_mode = #tpu.pipeline_mode<synchronous>, transform_indices = @transform_3, window_bounds = array<i64: 1, 64>}, {pipeline_mode = #tpu.pipeline_mode<synchronous>, transform_indices = @transform_4, window_bounds = array<i64: 1, 64>}, {pipeline_mode = #tpu.pipeline_mode<synchronous>, transform_indices = @transform_5, window_bounds = array<i64: 1, 64>}, {pipeline_mode = #tpu.pipeline_mode<synchronous>, transform_indices = @transform_6, window_bounds = array<i64: 1, 64>}, {pipeline_mode = #tpu.pipeline_mode<synchronous>, transform_indices = @transform_7, window_bounds = array<i64: 1, 64>}, {pipeline_mode = #tpu.pipeline_mode<synchronous>, transform_indices = @transform_8, window_bounds = array<i64: 64, 64>}, {pipeline_mode = #tpu.pipeline_mode<synchronous>, transform_indices = @transform_9, window_bounds = array<i64: 1, 64>}, {pipeline_mode = #tpu.pipeline_mode<synchronous>, transform_indices = @transform_10, window_bounds = array<i64: 1, 64>}, {pipeline_mode = #tpu.pipeline_mode<synchronous>, transform_indices = @transform_11, window_bounds = array<i64: 1, 64>}, {pipeline_mode = #tpu.pipeline_mode<synchronous>, transform_indices = @transform_12, window_bounds = array<i64: 1, 64>}, {pipeline_mode = #tpu.pipeline_mode<synchronous>, transform_indices = @transform_13, window_bounds = array<i64: 1, 64>}, {pipeline_mode = #tpu.pipeline_mode<synchronous>, transform_indices = @transform_14, window_bounds = array<i64: 64, 64>}, {pipeline_mode = #tpu.pipeline_mode<synchronous>, transform_indices = @transform_15, window_bounds = array<i64: 1, 64>}, {transform_indices = @transform_16, window_bounds = array<i64: 512, 64>}]} {
    %get3A = arith.constant 0 : index
    %get3A_0 = arith.constant 0 : index
    %get3A_1 = vector.load %arg1[%get3A, %get3A_0] : memref<512x8xf32, #tpu.memory_space<vmem>>, vector<512x8xf32>
    %get3A_2 = arith.constant 0 : index
    %get3A_3 = arith.constant 0 : index
    %get3A_4 = vector.load %arg2[%get3A_2, %get3A_3] : memref<512x160xf32, #tpu.memory_space<vmem>>, vector<512x8xf32>
    %add3A = arith.addf %get3A_1, %get3A_4 : vector<512x8xf32>
    %get3A_5 = arith.constant 0 : index
    %get3A_6 = arith.constant 8 : index
    %get3A_7 = vector.load %arg2[%get3A_5, %get3A_6] : memref<512x160xf32, #tpu.memory_space<vmem>>, vector<512x8xf32>
    %add3A_8 = arith.addf %get3A_1, %get3A_7 : vector<512x8xf32>
    %get3A_9 = arith.constant 0 : index
    %get3A_10 = arith.constant 16 : index
    %get3A_11 = vector.load %arg2[%get3A_9, %get3A_10] : memref<512x160xf32, #tpu.memory_space<vmem>>, vector<512x8xf32>
    %add3A_12 = arith.addf %get3A_1, %get3A_11 : vector<512x8xf32>
    %get3A_13 = arith.constant 0 : index
    %get3A_14 = arith.constant 24 : index
    %get3A_15 = vector.load %arg2[%get3A_13, %get3A_14] : memref<512x160xf32, #tpu.memory_space<vmem>>, vector<512x8xf32>
    %add3A_16 = arith.addf %get3A_1, %get3A_15 : vector<512x8xf32>
    %get3A_17 = arith.constant 0 : index
    %get3A_18 = arith.constant 32 : index
    %get3A_19 = vector.load %arg2[%get3A_17, %get3A_18] : memref<512x160xf32, #tpu.memory_space<vmem>>, vector<512x8xf32>
    %add3A_20 = arith.addf %get3A_1, %get3A_19 : vector<512x8xf32>
    %get3A_21 = arith.constant 0 : index
    %get3A_22 = arith.constant 40 : index
    %get3A_23 = vector.load %arg2[%get3A_21, %get3A_22] : memref<512x160xf32, #tpu.memory_space<vmem>>, vector<512x8xf32>
    %add3A_24 = arith.addf %get3A_1, %get3A_23 : vector<512x8xf32>
    %get3A_25 = arith.constant 0 : index
    %get3A_26 = arith.constant 48 : index
    %get3A_27 = vector.load %arg2[%get3A_25, %get3A_26] : memref<512x160xf32, #tpu.memory_space<vmem>>, vector<512x8xf32>
    %add3A_28 = arith.addf %get3A_1, %get3A_27 : vector<512x8xf32>
    %get3A_29 = arith.constant 0 : index
    %get3A_30 = arith.constant 56 : index
    %get3A_31 = vector.load %arg2[%get3A_29, %get3A_30] : memref<512x160xf32, #tpu.memory_space<vmem>>, vector<512x8xf32>
    %add3A_32 = arith.addf %get3A_1, %get3A_31 : vector<512x8xf32>
    %get3A_33 = arith.constant 0 : index
    %get3A_34 = arith.constant 64 : index
    %get3A_35 = vector.load %arg2[%get3A_33, %get3A_34] : memref<512x160xf32, #tpu.memory_space<vmem>>, vector<512x8xf32>
    %add3A_36 = arith.addf %get3A_1, %get3A_35 : vector<512x8xf32>
    %get3A_37 = arith.constant 0 : index
    %get3A_38 = arith.constant 72 : index
    %get3A_39 = vector.load %arg2[%get3A_37, %get3A_38] : memref<512x160xf32, #tpu.memory_space<vmem>>, vector<512x8xf32>
    %add3A_40 = arith.addf %get3A_1, %get3A_39 : vector<512x8xf32>
    %get3A_41 = arith.constant 0 : index
    %get3A_42 = arith.constant 80 : index
    %get3A_43 = vector.load %arg2[%get3A_41, %get3A_42] : memref<512x160xf32, #tpu.memory_space<vmem>>, vector<512x8xf32>
    %add3A_44 = arith.addf %get3A_1, %get3A_43 : vector<512x8xf32>
    %get3A_45 = arith.constant 0 : index
    %get3A_46 = arith.constant 88 : index
    %get3A_47 = vector.load %arg2[%get3A_45, %get3A_46] : memref<512x160xf32, #tpu.memory_space<vmem>>, vector<512x8xf32>
    %add3A_48 = arith.addf %get3A_1, %get3A_47 : vector<512x8xf32>
    %get3A_49 = arith.constant 0 : index
    %get3A_50 = arith.constant 96 : index
    %get3A_51 = vector.load %arg2[%get3A_49, %get3A_50] : memref<512x160xf32, #tpu.memory_space<vmem>>, vector<512x8xf32>
    %add3A_52 = arith.addf %get3A_1, %get3A_51 : vector<512x8xf32>
    %get3A_53 = arith.constant 0 : index
    %get3A_54 = arith.constant 104 : index
    %get3A_55 = vector.load %arg2[%get3A_53, %get3A_54] : memref<512x160xf32, #tpu.memory_space<vmem>>, vector<512x8xf32>
    %add3A_56 = arith.addf %get3A_1, %get3A_55 : vector<512x8xf32>
    %get3A_57 = arith.constant 0 : index
    %get3A_58 = arith.constant 112 : index
    %get3A_59 = vector.load %arg2[%get3A_57, %get3A_58] : memref<512x160xf32, #tpu.memory_space<vmem>>, vector<512x8xf32>
    %add3A_60 = arith.addf %get3A_1, %get3A_59 : vector<512x8xf32>
    %get3A_61 = arith.constant 0 : index
    %get3A_62 = arith.constant 120 : index
    %get3A_63 = vector.load %arg2[%get3A_61, %get3A_62] : memref<512x160xf32, #tpu.memory_space<vmem>>, vector<512x8xf32>
    %add3A_64 = arith.addf %get3A_1, %get3A_63 : vector<512x8xf32>
    %get3A_65 = arith.constant 0 : index
    %get3A_66 = arith.constant 128 : index
    %get3A_67 = vector.load %arg2[%get3A_65, %get3A_66] : memref<512x160xf32, #tpu.memory_space<vmem>>, vector<512x8xf32>
    %add3A_68 = arith.addf %get3A_1, %get3A_67 : vector<512x8xf32>
    %get3A_69 = arith.constant 0 : index
    %get3A_70 = arith.constant 136 : index
    %get3A_71 = vector.load %arg2[%get3A_69, %get3A_70] : memref<512x160xf32, #tpu.memory_space<vmem>>, vector<512x8xf32>
    %add3A_72 = arith.addf %get3A_1, %get3A_71 : vector<512x8xf32>
    %get3A_73 = arith.constant 0 : index
    %get3A_74 = arith.constant 144 : index
    %get3A_75 = vector.load %arg2[%get3A_73, %get3A_74] : memref<512x160xf32, #tpu.memory_space<vmem>>, vector<512x8xf32>
    %add3A_76 = arith.addf %get3A_1, %get3A_75 : vector<512x8xf32>
    %get3A_77 = arith.constant 0 : index
    %get3A_78 = arith.constant 152 : index
    %get3A_79 = vector.load %arg2[%get3A_77, %get3A_78] : memref<512x160xf32, #tpu.memory_space<vmem>>, vector<512x8xf32>
    %add3A_80 = arith.addf %get3A_1, %get3A_79 : vector<512x8xf32>
    %concatenate3A = tpu.concatenate %add3A, %add3A_8, %add3A_12, %add3A_16, %add3A_20, %add3A_24, %add3A_28, %add3A_32, %add3A_36, %add3A_40, %add3A_44, %add3A_48, %add3A_52, %add3A_56, %add3A_60, %add3A_64, %add3A_68, %add3A_72, %add3A_76, %add3A_80 in 0 : vector<512x8xf32>, vector<512x8xf32>, vector<512x8xf32>, vector<512x8xf32>, vector<512x8xf32>, vector<512x8xf32>, vector<512x8xf32>, vector<512x8xf32>, vector<512x8xf32>, vector<512x8xf32>, vector<512x8xf32>, vector<512x8xf32>, vector<512x8xf32>, vector<512x8xf32>, vector<512x8xf32>, vector<512x8xf32>, vector<512x8xf32>, vector<512x8xf32>, vector<512x8xf32>, vector<512x8xf32> -> vector<10240x8xf32>
    %get3A_81 = arith.constant 0 : index
    %get3A_82 = arith.constant 0 : index
    %get3A_83 = vector.load %arg3[%get3A_81, %get3A_82] : memref<8x64xf32, #tpu.memory_space<vmem>>, vector<8x64xf32>
    %dot_general3A = arith.constant dense<0.000000e+00> : vector<10240x64xf32>
    %dot_general3A_84 = tpu.matmul %concatenate3A, %get3A_83, %dot_general3A {dimension_numbers = #tpu.dot_dimension_numbers<[1], [0], [0], [1], [0, 0, 1, 1], [], []>, transpose_lhs_hint = false} : vector<10240x8xf32>, vector<8x64xf32>, vector<10240x64xf32> -> vector<10240x64xf32>
    %get3A_85 = arith.constant 0 : index
    %get3A_86 = arith.constant 0 : index
    %get3A_87 = vector.load %arg4[%get3A_85, %get3A_86] : memref<1x64xf32, #tpu.memory_space<vmem>>, vector<1x64xf32>
    %add3A_88 = vector.broadcast %get3A_87 : vector<1x64xf32> to vector<10240x64xf32>
    %add3A_89 = arith.addf %dot_general3A_84, %add3A_88 : vector<10240x64xf32>
    %get3A_90 = arith.constant 0 : index
    %get3A_91 = arith.constant 0 : index
    %get3A_92 = vector.load %arg5[%get3A_90, %get3A_91] : memref<1x64xf32, #tpu.memory_space<vmem>>, vector<1x64xf32>
    %sub3A = vector.broadcast %get3A_92 : vector<1x64xf32> to vector<10240x64xf32>
    %sub3A_93 = arith.subf %add3A_89, %sub3A : vector<10240x64xf32>
    %get3A_94 = arith.constant 0 : index
    %get3A_95 = arith.constant 0 : index
    %get3A_96 = vector.load %arg6[%get3A_94, %get3A_95] : memref<1x64xf32, #tpu.memory_space<vmem>>, vector<1x64xf32>
    %div3A = vector.broadcast %get3A_96 : vector<1x64xf32> to vector<10240x64xf32>
    %div3A_97 = arith.divf %sub3A_93, %div3A : vector<10240x64xf32>
    %get3A_98 = arith.constant 0 : index
    %get3A_99 = arith.constant 0 : index
    %get3A_100 = vector.load %arg7[%get3A_98, %get3A_99] : memref<1x64xf32, #tpu.memory_space<vmem>>, vector<1x64xf32>
    %mul3A = vector.broadcast %get3A_100 : vector<1x64xf32> to vector<10240x64xf32>
    %mul3A_101 = arith.mulf %div3A_97, %mul3A : vector<10240x64xf32>
    %get3A_102 = arith.constant 0 : index
    %get3A_103 = arith.constant 0 : index
    %get3A_104 = vector.load %arg8[%get3A_102, %get3A_103] : memref<1x64xf32, #tpu.memory_space<vmem>>, vector<1x64xf32>
    %add3A_105 = vector.broadcast %get3A_104 : vector<1x64xf32> to vector<10240x64xf32>
    %add3A_106 = arith.addf %mul3A_101, %add3A_105 : vector<10240x64xf32>
    %max3A = arith.constant 0.000000e+00 : f32
    %max3A_107 = vector.broadcast %max3A : f32 to vector<10240x64xf32>
    %max3A_108 = arith.maximumf %add3A_106, %max3A_107 : vector<10240x64xf32>
    %get3A_109 = arith.constant 0 : index
    %get3A_110 = arith.constant 0 : index
    %get3A_111 = vector.load %arg9[%get3A_109, %get3A_110] : memref<64x64xf32, #tpu.memory_space<vmem>>, vector<64x64xf32>
    %dot_general3A_112 = arith.constant dense<0.000000e+00> : vector<10240x64xf32>
    %dot_general3A_113 = tpu.matmul %max3A_108, %get3A_111, %dot_general3A_112 {dimension_numbers = #tpu.dot_dimension_numbers<[1], [0], [0], [1], [0, 0, 1, 1], [], []>, transpose_lhs_hint = false} : vector<10240x64xf32>, vector<64x64xf32>, vector<10240x64xf32> -> vector<10240x64xf32>
    %get3A_114 = arith.constant 0 : index
    %get3A_115 = arith.constant 0 : index
    %get3A_116 = vector.load %arg10[%get3A_114, %get3A_115] : memref<1x64xf32, #tpu.memory_space<vmem>>, vector<1x64xf32>
    %add3A_117 = vector.broadcast %get3A_116 : vector<1x64xf32> to vector<10240x64xf32>
    %add3A_118 = arith.addf %dot_general3A_113, %add3A_117 : vector<10240x64xf32>
    %get3A_119 = arith.constant 0 : index
    %get3A_120 = arith.constant 0 : index
    %get3A_121 = vector.load %arg11[%get3A_119, %get3A_120] : memref<1x64xf32, #tpu.memory_space<vmem>>, vector<1x64xf32>
    %sub3A_122 = vector.broadcast %get3A_121 : vector<1x64xf32> to vector<10240x64xf32>
    %sub3A_123 = arith.subf %add3A_118, %sub3A_122 : vector<10240x64xf32>
    %get3A_124 = arith.constant 0 : index
    %get3A_125 = arith.constant 0 : index
    %get3A_126 = vector.load %arg12[%get3A_124, %get3A_125] : memref<1x64xf32, #tpu.memory_space<vmem>>, vector<1x64xf32>
    %div3A_127 = vector.broadcast %get3A_126 : vector<1x64xf32> to vector<10240x64xf32>
    %div3A_128 = arith.divf %sub3A_123, %div3A_127 : vector<10240x64xf32>
    %get3A_129 = arith.constant 0 : index
    %get3A_130 = arith.constant 0 : index
    %get3A_131 = vector.load %arg13[%get3A_129, %get3A_130] : memref<1x64xf32, #tpu.memory_space<vmem>>, vector<1x64xf32>
    %mul3A_132 = vector.broadcast %get3A_131 : vector<1x64xf32> to vector<10240x64xf32>
    %mul3A_133 = arith.mulf %div3A_128, %mul3A_132 : vector<10240x64xf32>
    %get3A_134 = arith.constant 0 : index
    %get3A_135 = arith.constant 0 : index
    %get3A_136 = vector.load %arg14[%get3A_134, %get3A_135] : memref<1x64xf32, #tpu.memory_space<vmem>>, vector<1x64xf32>
    %add3A_137 = vector.broadcast %get3A_136 : vector<1x64xf32> to vector<10240x64xf32>
    %add3A_138 = arith.addf %mul3A_133, %add3A_137 : vector<10240x64xf32>
    %max3A_139 = arith.constant 0.000000e+00 : f32
    %max3A_140 = vector.broadcast %max3A_139 : f32 to vector<10240x64xf32>
    %max3A_141 = arith.maximumf %add3A_138, %max3A_140 : vector<10240x64xf32>
    %get3A_142 = arith.constant 0 : index
    %get3A_143 = arith.constant 0 : index
    %get3A_144 = vector.load %arg15[%get3A_142, %get3A_143] : memref<64x64xf32, #tpu.memory_space<vmem>>, vector<64x64xf32>
    %dot_general3A_145 = arith.constant dense<0.000000e+00> : vector<10240x64xf32>
    %dot_general3A_146 = tpu.matmul %max3A_141, %get3A_144, %dot_general3A_145 {dimension_numbers = #tpu.dot_dimension_numbers<[1], [0], [0], [1], [0, 0, 1, 1], [], []>, transpose_lhs_hint = false} : vector<10240x64xf32>, vector<64x64xf32>, vector<10240x64xf32> -> vector<10240x64xf32>
    %get3A_147 = arith.constant 0 : index
    %get3A_148 = arith.constant 0 : index
    %get3A_149 = vector.load %arg16[%get3A_147, %get3A_148] : memref<1x64xf32, #tpu.memory_space<vmem>>, vector<1x64xf32>
    %add3A_150 = vector.broadcast %get3A_149 : vector<1x64xf32> to vector<10240x64xf32>
    %add3A_151 = arith.addf %dot_general3A_146, %add3A_150 : vector<10240x64xf32>
    %slice3A = vector.extract_strided_slice %add3A_151 {offsets = [0, 0], sizes = [512, 64], strides = [1, 1]} : vector<10240x64xf32> to vector<512x64xf32>
    %slice3A_152 = vector.extract_strided_slice %add3A_151 {offsets = [512, 0], sizes = [512, 64], strides = [1, 1]} : vector<10240x64xf32> to vector<512x64xf32>
    %max3A_153 = arith.maximumf %slice3A, %slice3A_152 : vector<512x64xf32>
    %slice3A_154 = vector.extract_strided_slice %add3A_151 {offsets = [1024, 0], sizes = [512, 64], strides = [1, 1]} : vector<10240x64xf32> to vector<512x64xf32>
    %max3A_155 = arith.maximumf %max3A_153, %slice3A_154 : vector<512x64xf32>
    %slice3A_156 = vector.extract_strided_slice %add3A_151 {offsets = [1536, 0], sizes = [512, 64], strides = [1, 1]} : vector<10240x64xf32> to vector<512x64xf32>
    %max3A_157 = arith.maximumf %max3A_155, %slice3A_156 : vector<512x64xf32>
    %slice3A_158 = vector.extract_strided_slice %add3A_151 {offsets = [2048, 0], sizes = [512, 64], strides = [1, 1]} : vector<10240x64xf32> to vector<512x64xf32>
    %max3A_159 = arith.maximumf %max3A_157, %slice3A_158 : vector<512x64xf32>
    %slice3A_160 = vector.extract_strided_slice %add3A_151 {offsets = [2560, 0], sizes = [512, 64], strides = [1, 1]} : vector<10240x64xf32> to vector<512x64xf32>
    %max3A_161 = arith.maximumf %max3A_159, %slice3A_160 : vector<512x64xf32>
    %slice3A_162 = vector.extract_strided_slice %add3A_151 {offsets = [3072, 0], sizes = [512, 64], strides = [1, 1]} : vector<10240x64xf32> to vector<512x64xf32>
    %max3A_163 = arith.maximumf %max3A_161, %slice3A_162 : vector<512x64xf32>
    %slice3A_164 = vector.extract_strided_slice %add3A_151 {offsets = [3584, 0], sizes = [512, 64], strides = [1, 1]} : vector<10240x64xf32> to vector<512x64xf32>
    %max3A_165 = arith.maximumf %max3A_163, %slice3A_164 : vector<512x64xf32>
    %slice3A_166 = vector.extract_strided_slice %add3A_151 {offsets = [4096, 0], sizes = [512, 64], strides = [1, 1]} : vector<10240x64xf32> to vector<512x64xf32>
    %max3A_167 = arith.maximumf %max3A_165, %slice3A_166 : vector<512x64xf32>
    %slice3A_168 = vector.extract_strided_slice %add3A_151 {offsets = [4608, 0], sizes = [512, 64], strides = [1, 1]} : vector<10240x64xf32> to vector<512x64xf32>
    %max3A_169 = arith.maximumf %max3A_167, %slice3A_168 : vector<512x64xf32>
    %slice3A_170 = vector.extract_strided_slice %add3A_151 {offsets = [5120, 0], sizes = [512, 64], strides = [1, 1]} : vector<10240x64xf32> to vector<512x64xf32>
    %max3A_171 = arith.maximumf %max3A_169, %slice3A_170 : vector<512x64xf32>
    %slice3A_172 = vector.extract_strided_slice %add3A_151 {offsets = [5632, 0], sizes = [512, 64], strides = [1, 1]} : vector<10240x64xf32> to vector<512x64xf32>
    %max3A_173 = arith.maximumf %max3A_171, %slice3A_172 : vector<512x64xf32>
    %slice3A_174 = vector.extract_strided_slice %add3A_151 {offsets = [6144, 0], sizes = [512, 64], strides = [1, 1]} : vector<10240x64xf32> to vector<512x64xf32>
    %max3A_175 = arith.maximumf %max3A_173, %slice3A_174 : vector<512x64xf32>
    %slice3A_176 = vector.extract_strided_slice %add3A_151 {offsets = [6656, 0], sizes = [512, 64], strides = [1, 1]} : vector<10240x64xf32> to vector<512x64xf32>
    %max3A_177 = arith.maximumf %max3A_175, %slice3A_176 : vector<512x64xf32>
    %slice3A_178 = vector.extract_strided_slice %add3A_151 {offsets = [7168, 0], sizes = [512, 64], strides = [1, 1]} : vector<10240x64xf32> to vector<512x64xf32>
    %max3A_179 = arith.maximumf %max3A_177, %slice3A_178 : vector<512x64xf32>
    %slice3A_180 = vector.extract_strided_slice %add3A_151 {offsets = [7680, 0], sizes = [512, 64], strides = [1, 1]} : vector<10240x64xf32> to vector<512x64xf32>
    %max3A_181 = arith.maximumf %max3A_179, %slice3A_180 : vector<512x64xf32>
    %slice3A_182 = vector.extract_strided_slice %add3A_151 {offsets = [8192, 0], sizes = [512, 64], strides = [1, 1]} : vector<10240x64xf32> to vector<512x64xf32>
    %max3A_183 = arith.maximumf %max3A_181, %slice3A_182 : vector<512x64xf32>
    %slice3A_184 = vector.extract_strided_slice %add3A_151 {offsets = [8704, 0], sizes = [512, 64], strides = [1, 1]} : vector<10240x64xf32> to vector<512x64xf32>
    %max3A_185 = arith.maximumf %max3A_183, %slice3A_184 : vector<512x64xf32>
    %slice3A_186 = vector.extract_strided_slice %add3A_151 {offsets = [9216, 0], sizes = [512, 64], strides = [1, 1]} : vector<10240x64xf32> to vector<512x64xf32>
    %max3A_187 = arith.maximumf %max3A_185, %slice3A_186 : vector<512x64xf32>
    %slice3A_188 = vector.extract_strided_slice %add3A_151 {offsets = [9728, 0], sizes = [512, 64], strides = [1, 1]} : vector<10240x64xf32> to vector<512x64xf32>
    %max3A_189 = arith.maximumf %max3A_187, %slice3A_188 : vector<512x64xf32>
    %swap3A = arith.constant 0 : index
    %swap3A_190 = arith.constant 0 : index
    %swap3A_191 = vector.load %arg17[%swap3A, %swap3A_190] : memref<512x64xf32, #tpu.memory_space<vmem>>, vector<512x64xf32>
    tpu.vector_store %arg17[%swap3A, %swap3A_190], %max3A_189 {strides = array<i32>} : memref<512x64xf32, #tpu.memory_space<vmem>>, vector<512x64xf32>,
    return
  }
  func.func @transform_0(%arg0: i32) -> (i32, i32) {
    %c0_i32 = arith.constant 0 : i32
    %c0_i32_0 = arith.constant 0 : i32
    return %arg0, %c0_i32 : i32, i32
  }
  func.func @transform_1(%arg0: i32) -> (i32, i32) {
    %c0_i32 = arith.constant 0 : i32
    %c0_i32_0 = arith.constant 0 : i32
    return %arg0, %c0_i32 : i32, i32
  }
  func.func @transform_2(%arg0: i32) -> (i32, i32) {
    %c0_i32 = arith.constant 0 : i32
    %c0_i32_0 = arith.constant 0 : i32
    %c0_i32_1 = arith.constant 0 : i32
    return %c0_i32, %c0_i32_0 : i32, i32
  }
  func.func @transform_3(%arg0: i32) -> (i32, i32) {
    %c0_i32 = arith.constant 0 : i32
    %c0_i32_0 = arith.constant 0 : i32
    %c0_i32_1 = arith.constant 0 : i32
    return %c0_i32, %c0_i32_0 : i32, i32
  }
  func.func @transform_4(%arg0: i32) -> (i32, i32) {
    %c0_i32 = arith.constant 0 : i32
    %c0_i32_0 = arith.constant 0 : i32
    %c0_i32_1 = arith.constant 0 : i32
    return %c0_i32, %c0_i32_0 : i32, i32
  }
  func.func @transform_5(%arg0: i32) -> (i32, i32) {
    %c0_i32 = arith.constant 0 : i32
    %c0_i32_0 = arith.constant 0 : i32
    %c0_i32_1 = arith.constant 0 : i32
    return %c0_i32, %c0_i32_0 : i32, i32
  }
  func.func @transform_6(%arg0: i32) -> (i32, i32) {
    %c0_i32 = arith.constant 0 : i32
    %c0_i32_0 = arith.constant 0 : i32
    %c0_i32_1 = arith.constant 0 : i32
    return %c0_i32, %c0_i32_0 : i32, i32
  }
  func.func @transform_7(%arg0: i32) -> (i32, i32) {
    %c0_i32 = arith.constant 0 : i32
    %c0_i32_0 = arith.constant 0 : i32
    %c0_i32_1 = arith.constant 0 : i32
    return %c0_i32, %c0_i32_0 : i32, i32
  }
  func.func @transform_8(%arg0: i32) -> (i32, i32) {
    %c0_i32 = arith.constant 0 : i32
    %c0_i32_0 = arith.constant 0 : i32
    %c0_i32_1 = arith.constant 0 : i32
    return %c0_i32, %c0_i32_0 : i32, i32
  }
  func.func @transform_9(%arg0: i32) -> (i32, i32) {
    %c0_i32 = arith.constant 0 : i32
    %c0_i32_0 = arith.constant 0 : i32
    %c0_i32_1 = arith.constant 0 : i32
    return %c0_i32, %c0_i32_0 : i32, i32
  }
  func.func @transform_10(%arg0: i32) -> (i32, i32) {
    %c0_i32 = arith.constant 0 : i32
    %c0_i32_0 = arith.constant 0 : i32
    %c0_i32_1 = arith.constant 0 : i32
    return %c0_i32, %c0_i32_0 : i32, i32
  }
  func.func @transform_11(%arg0: i32) -> (i32, i32) {
    %c0_i32 = arith.constant 0 : i32
    %c0_i32_0 = arith.constant 0 : i32
    %c0_i32_1 = arith.constant 0 : i32
    return %c0_i32, %c0_i32_0 : i32, i32
  }
  func.func @transform_12(%arg0: i32) -> (i32, i32) {
    %c0_i32 = arith.constant 0 : i32
    %c0_i32_0 = arith.constant 0 : i32
    %c0_i32_1 = arith.constant 0 : i32
    return %c0_i32, %c0_i32_0 : i32, i32
  }
  func.func @transform_13(%arg0: i32) -> (i32, i32) {
    %c0_i32 = arith.constant 0 : i32
    %c0_i32_0 = arith.constant 0 : i32
    %c0_i32_1 = arith.constant 0 : i32
    return %c0_i32, %c0_i32_0 : i32, i32
  }
  func.func @transform_14(%arg0: i32) -> (i32, i32) {
    %c0_i32 = arith.constant 0 : i32
    %c0_i32_0 = arith.constant 0 : i32
    %c0_i32_1 = arith.constant 0 : i32
    return %c0_i32, %c0_i32_0 : i32, i32
  }
  func.func @transform_15(%arg0: i32) -> (i32, i32) {
    %c0_i32 = arith.constant 0 : i32
    %c0_i32_0 = arith.constant 0 : i32
    %c0_i32_1 = arith.constant 0 : i32
    return %c0_i32, %c0_i32_0 : i32, i32
  }
  func.func @transform_16(%arg0: i32) -> (i32, i32) {
    %c0_i32 = arith.constant 0 : i32
    %c0_i32_0 = arith.constant 0 : i32
    return %arg0, %c0_i32 : i32, i32
  }
}

module attributes {stable_mosaic.version = 14 : i64} {
  func.func @_knn_body(%arg0: i32, %arg1: memref<17xi32, #tpu.memory_space<smem>>, %arg2: memref<8832x64xf32, #tpu.memory_space<vmem>>, %arg3: memref<8832x20xi32, #tpu.memory_space<vmem>>, %arg4: memref<640x640xf32, #tpu.memory_space<vmem>>) attributes {dimension_semantics = [#tpu.dimension_semantics<arbitrary>], iteration_bounds = array<i64: 16>, scalar_prefetch = 1 : i64, scratch_operands = 1 : i64, tpu.core_type = #tpu.core_type<tc>, window_params = [{pipeline_mode = #tpu.pipeline_mode<synchronous>, transform_indices = @transform_0, window_bounds = array<i64: 8832, 64>}, {pipeline_mode = #tpu.pipeline_mode<synchronous>, transform_indices = @transform_1, window_bounds = array<i64: 8832, 20>}]} {
    %get3A = arith.index_cast %arg0 : i32 to index
    %get3A_0 = memref.load %arg1[%get3A] : memref<17xi32, #tpu.memory_space<smem>>
    %add3A = arith.constant 1 : i32
    %add3A_1 = arith.addi %arg0, %add3A : i32
    %get3A_2 = arith.index_cast %add3A_1 : i32 to index
    %get3A_3 = memref.load %arg1[%get3A_2] : memref<17xi32, #tpu.memory_space<smem>>
    %sub3A = arith.subi %get3A_3, %get3A_0 : i32
    %get3A_4 = arith.index_cast %get3A_0 : i32 to index
    %get3A_5 = arith.constant 0 : index
    %get3A_6 = vector.load %arg2[%get3A_4, %get3A_5] : memref<8832x64xf32, #tpu.memory_space<vmem>>, vector<640x64xf32>
    %mul3A = arith.mulf %get3A_6, %get3A_6 : vector<640x64xf32>
    %reduce_sum3A = arith.constant dense<0.000000e+00> : vector<640xf32>
    %reduce_sum3A_7 = vector.multi_reduction <add>, %mul3A, %reduce_sum3A [1] : vector<640x64xf32> to vector<640xf32>
    %broadcast_in_dim3A = vector.shape_cast %reduce_sum3A_7 : vector<640xf32> to vector<640x1xf32>
    %dot_general3A = arith.constant dense<0.000000e+00> : vector<640x640xf32>
    %dot_general3A_8 = tpu.matmul %get3A_6, %get3A_6, %dot_general3A {dimension_numbers = #tpu.dot_dimension_numbers<[1], [1], [0], [0], [0, 0, 1, 0], [], []>, transpose_lhs_hint = false} : vector<640x64xf32>, vector<640x64xf32>, vector<640x640xf32> -> vector<640x640xf32>
    %mul3A_9 = arith.constant 2.000000e+00 : f32
    %mul3A_10 = vector.broadcast %mul3A_9 : f32 to vector<640x640xf32>
    %mul3A_11 = arith.mulf %mul3A_10, %dot_general3A_8 : vector<640x640xf32>
    %sub3A_12 = vector.broadcast %broadcast_in_dim3A : vector<640x1xf32> to vector<640x640xf32>
    %sub3A_13 = arith.subf %sub3A_12, %mul3A_11 : vector<640x640xf32>
    %transpose3A = tpu.transpose %broadcast_in_dim3A, [1, 0] : vector<640x1xf32> -> vector<1x640xf32>
    %add3A_14 = vector.broadcast %transpose3A : vector<1x640xf32> to vector<640x640xf32>
    %add3A_15 = arith.addf %sub3A_13, %add3A_14 : vector<640x640xf32>
    %iota3A = tpu.iota {dimensions = array<i32: 1>} : vector<1x640xi32>
    %lt3A = vector.broadcast %sub3A : i32 to vector<1x640xi32>
    %lt3A_16 = arith.cmpi slt, %iota3A, %lt3A : vector<1x640xi32>
    %jit3A = arith.constant 3.000000e+38 : f32
    %broadcast_in_dim3A_17 = vector.shape_cast %lt3A_16 : vector<1x640xi1> to vector<1x640xi1>
    %broadcast_in_dim3A_18 = vector.broadcast %broadcast_in_dim3A_17 : vector<1x640xi1> to vector<640x640xi1>
    %broadcast_in_dim3A_19 = vector.broadcast %jit3A : f32 to vector<640x640xf32>
    %select_n3A = arith.select %broadcast_in_dim3A_18, %add3A_15, %broadcast_in_dim3A_19 : vector<640x640xi1>, vector<640x640xf32>
    %swap3A = arith.constant 0 : index
    %swap3A_20 = arith.constant 0 : index
    %swap3A_21 = vector.load %arg4[%swap3A, %swap3A_20] : memref<640x640xf32, #tpu.memory_space<vmem>>, vector<640x640xf32>
    tpu.vector_store %arg4[%swap3A, %swap3A_20], %select_n3A {strides = array<i32>} : memref<640x640xf32, #tpu.memory_space<vmem>>, vector<640x640xf32>,
    %iota3A_22 = tpu.iota {dimensions = array<i32: 1>} : vector<1x20xi32>
    %broadcast_in_dim3A_23 = arith.constant 0 : i32
    %broadcast_in_dim3A_24 = vector.broadcast %broadcast_in_dim3A_23 : i32 to vector<640x20xi32>
    %scan3A = arith.constant 3.000000e+38 : f32
    %scan3A_25 = arith.constant 0 : i32
    %scan3A_26 = arith.constant 20 : i32
    %scan3A_27 = arith.addi %scan3A_25, %scan3A_26 : i32
    %scan3A_28 = arith.constant 1 : i32
    %scan3A_29 = scf.for %scan3A_36 = %scan3A_25 to %scan3A_27 step %scan3A_28 iter_args(%scan3A_37 = %broadcast_in_dim3A_24) -> (vector<640x20xi32>)  : i32 {
      %get3A_38 = arith.constant 0 : index
      %get3A_39 = arith.constant 0 : index
      %get3A_40 = vector.load %arg4[%get3A_38, %get3A_39] : memref<640x640xf32, #tpu.memory_space<vmem>>, vector<640x640xf32>
      %reduce_min3A = arith.constant dense<0x7F800000> : vector<640xf32>
      %reduce_min3A_41 = vector.multi_reduction <minimumf>, %get3A_40, %reduce_min3A [1] : vector<640x640xf32> to vector<640xf32>
      %broadcast_in_dim3A_42 = vector.shape_cast %reduce_min3A_41 : vector<640xf32> to vector<640x1xf32>
      %le3A = vector.broadcast %broadcast_in_dim3A_42 : vector<640x1xf32> to vector<640x640xf32>
      %le3A_43 = arith.cmpf ole, %get3A_40, %le3A : vector<640x640xf32>
      %jit3A_44 = arith.constant 640 : i32
      %broadcast_in_dim3A_45 = vector.shape_cast %iota3A : vector<1x640xi32> to vector<1x640xi32>
      %broadcast_in_dim3A_46 = vector.broadcast %broadcast_in_dim3A_45 : vector<1x640xi32> to vector<640x640xi32>
      %broadcast_in_dim3A_47 = vector.broadcast %jit3A_44 : i32 to vector<640x640xi32>
      %select_n3A_48 = arith.select %le3A_43, %broadcast_in_dim3A_46, %broadcast_in_dim3A_47 : vector<640x640xi1>, vector<640x640xi32>
      %reduce_min3A_49 = arith.constant dense<2147483647> : vector<640xi32>
      %reduce_min3A_50 = vector.multi_reduction <minsi>, %select_n3A_48, %reduce_min3A_49 [1] : vector<640x640xi32> to vector<640xi32>
      %broadcast_in_dim3A_51 = vector.shape_cast %reduce_min3A_50 : vector<640xi32> to vector<640x1xi32>
      %eq3A = vector.broadcast %iota3A : vector<1x640xi32> to vector<640x640xi32>
      %eq3A_52 = vector.broadcast %broadcast_in_dim3A_51 : vector<640x1xi32> to vector<640x640xi32>
      %eq3A_53 = arith.cmpi eq, %eq3A, %eq3A_52 : vector<640x640xi32>
      %broadcast_in_dim3A_54 = vector.broadcast %scan3A : f32 to vector<640x640xf32>
      %select_n3A_55 = arith.select %eq3A_53, %broadcast_in_dim3A_54, %get3A_40 : vector<640x640xi1>, vector<640x640xf32>
      %swap3A_56 = arith.constant 0 : index
      %swap3A_57 = arith.constant 0 : index
      %swap3A_58 = vector.load %arg4[%swap3A_56, %swap3A_57] : memref<640x640xf32, #tpu.memory_space<vmem>>, vector<640x640xf32>
      tpu.vector_store %arg4[%swap3A_56, %swap3A_57], %select_n3A_55 {strides = array<i32>} : memref<640x640xf32, #tpu.memory_space<vmem>>, vector<640x640xf32>,
      %eq3A_59 = vector.broadcast %scan3A_36 : i32 to vector<1x20xi32>
      %eq3A_60 = arith.cmpi eq, %iota3A_22, %eq3A_59 : vector<1x20xi32>
      %broadcast_in_dim3A_61 = vector.shape_cast %eq3A_60 : vector<1x20xi1> to vector<1x20xi1>
      %broadcast_in_dim3A_62 = vector.broadcast %broadcast_in_dim3A_61 : vector<1x20xi1> to vector<640x20xi1>
      %broadcast_in_dim3A_63 = vector.shape_cast %broadcast_in_dim3A_51 : vector<640x1xi32> to vector<640x1xi32>
      %broadcast_in_dim3A_64 = vector.broadcast %broadcast_in_dim3A_63 : vector<640x1xi32> to vector<640x20xi32>
      %select_n3A_65 = arith.select %broadcast_in_dim3A_62, %broadcast_in_dim3A_64, %scan3A_37 : vector<640x20xi1>, vector<640x20xi32>
      scf.yield %select_n3A_65 : vector<640x20xi32>
    }
    %scan3A_30 = arith.constant 20 : i32
    %add3A_31 = vector.broadcast %get3A_0 : i32 to vector<640x20xi32>
    %add3A_32 = arith.addi %scan3A_29, %add3A_31 : vector<640x20xi32>
    %swap3A_33 = arith.index_cast %get3A_0 : i32 to index
    %swap3A_34 = arith.constant 0 : index
    %swap3A_35 = vector.load %arg3[%swap3A_33, %swap3A_34] : memref<8832x20xi32, #tpu.memory_space<vmem>>, vector<640x20xi32>
    tpu.vector_store %arg3[%swap3A_33, %swap3A_34], %add3A_32 {strides = array<i32>} : memref<8832x20xi32, #tpu.memory_space<vmem>>, vector<640x20xi32>,
    return
  }
  func.func @transform_0(%arg0: i32, %arg1: memref<17xi32, #tpu.memory_space<smem>>) -> (i32, i32) {
    %c0_i32 = arith.constant 0 : i32
    %c0_i32_0 = arith.constant 0 : i32
    %c0_i32_1 = arith.constant 0 : i32
    return %c0_i32, %c0_i32_0 : i32, i32
  }
  func.func @transform_1(%arg0: i32, %arg1: memref<17xi32, #tpu.memory_space<smem>>) -> (i32, i32) {
    %c0_i32 = arith.constant 0 : i32
    %c0_i32_0 = arith.constant 0 : i32
    %c0_i32_1 = arith.constant 0 : i32
    return %c0_i32, %c0_i32_0 : i32, i32
  }
}

module attributes {stable_mosaic.version = 14 : i64} {
  func.func @_pool_body(%arg0: i32, %arg1: memref<17xi32, #tpu.memory_space<smem>>, %arg2: memref<256x64xf32, #tpu.memory_space<vmem>>, %arg3: memref<256x1280xf32, #tpu.memory_space<vmem>>, %arg4: memref<128x128xf32, #tpu.memory_space<vmem>>, %arg5: memref<1x128xf32, #tpu.memory_space<vmem>>, %arg6: memref<192x1024xf32, #tpu.memory_space<vmem>>, %arg7: memref<1x1024xf32, #tpu.memory_space<vmem>>, %arg8: memref<1024x512xf32, #tpu.memory_space<vmem>>, %arg9: memref<1x512xf32, #tpu.memory_space<vmem>>, %arg10: memref<512x256xf32, #tpu.memory_space<vmem>>, %arg11: memref<1x256xf32, #tpu.memory_space<vmem>>, %arg12: memref<256x40xf32, #tpu.memory_space<vmem>>, %arg13: memref<1x40xf32, #tpu.memory_space<vmem>>, %arg14: memref<16x40xf32, #tpu.memory_space<vmem>>, %arg15: memref<16x1024xf32, #tpu.memory_space<vmem>>) attributes {dimension_semantics = [#tpu.dimension_semantics<arbitrary>], iteration_bounds = array<i64: 33>, scalar_prefetch = 1 : i64, scratch_operands = 1 : i64, tpu.core_type = #tpu.core_type<tc>, window_params = [{transform_indices = @transform_0, window_bounds = array<i64: 256, 64>}, {transform_indices = @transform_1, window_bounds = array<i64: 256, 1280>}, {pipeline_mode = #tpu.pipeline_mode<synchronous>, transform_indices = @transform_2, window_bounds = array<i64: 128, 128>}, {pipeline_mode = #tpu.pipeline_mode<synchronous>, transform_indices = @transform_3, window_bounds = array<i64: 1, 128>}, {pipeline_mode = #tpu.pipeline_mode<synchronous>, transform_indices = @transform_4, window_bounds = array<i64: 192, 1024>}, {pipeline_mode = #tpu.pipeline_mode<synchronous>, transform_indices = @transform_5, window_bounds = array<i64: 1, 1024>}, {pipeline_mode = #tpu.pipeline_mode<synchronous>, transform_indices = @transform_6, window_bounds = array<i64: 1024, 512>}, {pipeline_mode = #tpu.pipeline_mode<synchronous>, transform_indices = @transform_7, window_bounds = array<i64: 1, 512>}, {pipeline_mode = #tpu.pipeline_mode<synchronous>, transform_indices = @transform_8, window_bounds = array<i64: 512, 256>}, {pipeline_mode = #tpu.pipeline_mode<synchronous>, transform_indices = @transform_9, window_bounds = array<i64: 1, 256>}, {pipeline_mode = #tpu.pipeline_mode<synchronous>, transform_indices = @transform_10, window_bounds = array<i64: 256, 40>}, {pipeline_mode = #tpu.pipeline_mode<synchronous>, transform_indices = @transform_11, window_bounds = array<i64: 1, 40>}, {pipeline_mode = #tpu.pipeline_mode<synchronous>, transform_indices = @transform_12, window_bounds = array<i64: 16, 40>}]} {
    %eq3A = arith.constant 0 : i32
    %eq3A_0 = arith.cmpi eq, %arg0, %eq3A : i32
    %convert_element_type3A = arith.extui %eq3A_0 : i1 to i32
    %cond3A = arith.constant -3.000000e+38 : f32
    %cond3A_1 = arith.constant 0 : i32
    %cond3A_2 = arith.cmpi ne, %convert_element_type3A, %cond3A_1 : i32
    scf.if %cond3A_2 {
      %broadcast_in_dim3A = vector.broadcast %cond3A : f32 to vector<16x1024xf32>
      %swap3A = arith.constant 0 : index
      %swap3A_13 = arith.constant 0 : index
      %swap3A_14 = vector.load %arg15[%swap3A, %swap3A_13] : memref<16x1024xf32, #tpu.memory_space<vmem>>, vector<16x1024xf32>
      tpu.vector_store %arg15[%swap3A, %swap3A_13], %broadcast_in_dim3A {strides = array<i32>} : memref<16x1024xf32, #tpu.memory_space<vmem>>, vector<16x1024xf32>,
    } else {
    }
    %lt3A = arith.constant 32 : i32
    %lt3A_3 = arith.cmpi slt, %arg0, %lt3A : i32
    %convert_element_type3A_4 = arith.extui %lt3A_3 : i1 to i32
    %cond3A_5 = arith.constant -3.000000e+38 : f32
    %cond3A_6 = arith.constant 0 : i32
    %cond3A_7 = arith.cmpi ne, %convert_element_type3A_4, %cond3A_6 : i32
    scf.if %cond3A_7 {
      %get3A = arith.constant 0 : index
      %get3A_13 = arith.constant 0 : index
      %get3A_14 = vector.load %arg2[%get3A, %get3A_13] : memref<256x64xf32, #tpu.memory_space<vmem>>, vector<256x64xf32>
      %get3A_15 = arith.constant 0 : index
      %get3A_16 = arith.constant 0 : index
      %get3A_17 = vector.load %arg3[%get3A_15, %get3A_16] : memref<256x1280xf32, #tpu.memory_space<vmem>>, vector<256x64xf32>
      %sub3A = arith.subf %get3A_17, %get3A_14 : vector<256x64xf32>
      %concatenate3A = tpu.concatenate %get3A_14, %sub3A in 1 : vector<256x64xf32>, vector<256x64xf32> -> vector<256x128xf32>
      %get3A_18 = arith.constant 0 : index
      %get3A_19 = arith.constant 64 : index
      %get3A_20 = vector.load %arg3[%get3A_18, %get3A_19] : memref<256x1280xf32, #tpu.memory_space<vmem>>, vector<256x64xf32>
      %sub3A_21 = arith.subf %get3A_20, %get3A_14 : vector<256x64xf32>
      %concatenate3A_22 = tpu.concatenate %get3A_14, %sub3A_21 in 1 : vector<256x64xf32>, vector<256x64xf32> -> vector<256x128xf32>
      %get3A_23 = arith.constant 0 : index
      %get3A_24 = arith.constant 128 : index
      %get3A_25 = vector.load %arg3[%get3A_23, %get3A_24] : memref<256x1280xf32, #tpu.memory_space<vmem>>, vector<256x64xf32>
      %sub3A_26 = arith.subf %get3A_25, %get3A_14 : vector<256x64xf32>
      %concatenate3A_27 = tpu.concatenate %get3A_14, %sub3A_26 in 1 : vector<256x64xf32>, vector<256x64xf32> -> vector<256x128xf32>
      %get3A_28 = arith.constant 0 : index
      %get3A_29 = arith.constant 192 : index
      %get3A_30 = vector.load %arg3[%get3A_28, %get3A_29] : memref<256x1280xf32, #tpu.memory_space<vmem>>, vector<256x64xf32>
      %sub3A_31 = arith.subf %get3A_30, %get3A_14 : vector<256x64xf32>
      %concatenate3A_32 = tpu.concatenate %get3A_14, %sub3A_31 in 1 : vector<256x64xf32>, vector<256x64xf32> -> vector<256x128xf32>
      %get3A_33 = arith.constant 0 : index
      %get3A_34 = arith.constant 256 : index
      %get3A_35 = vector.load %arg3[%get3A_33, %get3A_34] : memref<256x1280xf32, #tpu.memory_space<vmem>>, vector<256x64xf32>
      %sub3A_36 = arith.subf %get3A_35, %get3A_14 : vector<256x64xf32>
      %concatenate3A_37 = tpu.concatenate %get3A_14, %sub3A_36 in 1 : vector<256x64xf32>, vector<256x64xf32> -> vector<256x128xf32>
      %get3A_38 = arith.constant 0 : index
      %get3A_39 = arith.constant 320 : index
      %get3A_40 = vector.load %arg3[%get3A_38, %get3A_39] : memref<256x1280xf32, #tpu.memory_space<vmem>>, vector<256x64xf32>
      %sub3A_41 = arith.subf %get3A_40, %get3A_14 : vector<256x64xf32>
      %concatenate3A_42 = tpu.concatenate %get3A_14, %sub3A_41 in 1 : vector<256x64xf32>, vector<256x64xf32> -> vector<256x128xf32>
      %get3A_43 = arith.constant 0 : index
      %get3A_44 = arith.constant 384 : index
      %get3A_45 = vector.load %arg3[%get3A_43, %get3A_44] : memref<256x1280xf32, #tpu.memory_space<vmem>>, vector<256x64xf32>
      %sub3A_46 = arith.subf %get3A_45, %get3A_14 : vector<256x64xf32>
      %concatenate3A_47 = tpu.concatenate %get3A_14, %sub3A_46 in 1 : vector<256x64xf32>, vector<256x64xf32> -> vector<256x128xf32>
      %get3A_48 = arith.constant 0 : index
      %get3A_49 = arith.constant 448 : index
      %get3A_50 = vector.load %arg3[%get3A_48, %get3A_49] : memref<256x1280xf32, #tpu.memory_space<vmem>>, vector<256x64xf32>
      %sub3A_51 = arith.subf %get3A_50, %get3A_14 : vector<256x64xf32>
      %concatenate3A_52 = tpu.concatenate %get3A_14, %sub3A_51 in 1 : vector<256x64xf32>, vector<256x64xf32> -> vector<256x128xf32>
      %get3A_53 = arith.constant 0 : index
      %get3A_54 = arith.constant 512 : index
      %get3A_55 = vector.load %arg3[%get3A_53, %get3A_54] : memref<256x1280xf32, #tpu.memory_space<vmem>>, vector<256x64xf32>
      %sub3A_56 = arith.subf %get3A_55, %get3A_14 : vector<256x64xf32>
      %concatenate3A_57 = tpu.concatenate %get3A_14, %sub3A_56 in 1 : vector<256x64xf32>, vector<256x64xf32> -> vector<256x128xf32>
      %get3A_58 = arith.constant 0 : index
      %get3A_59 = arith.constant 576 : index
      %get3A_60 = vector.load %arg3[%get3A_58, %get3A_59] : memref<256x1280xf32, #tpu.memory_space<vmem>>, vector<256x64xf32>
      %sub3A_61 = arith.subf %get3A_60, %get3A_14 : vector<256x64xf32>
      %concatenate3A_62 = tpu.concatenate %get3A_14, %sub3A_61 in 1 : vector<256x64xf32>, vector<256x64xf32> -> vector<256x128xf32>
      %get3A_63 = arith.constant 0 : index
      %get3A_64 = arith.constant 640 : index
      %get3A_65 = vector.load %arg3[%get3A_63, %get3A_64] : memref<256x1280xf32, #tpu.memory_space<vmem>>, vector<256x64xf32>
      %sub3A_66 = arith.subf %get3A_65, %get3A_14 : vector<256x64xf32>
      %concatenate3A_67 = tpu.concatenate %get3A_14, %sub3A_66 in 1 : vector<256x64xf32>, vector<256x64xf32> -> vector<256x128xf32>
      %get3A_68 = arith.constant 0 : index
      %get3A_69 = arith.constant 704 : index
      %get3A_70 = vector.load %arg3[%get3A_68, %get3A_69] : memref<256x1280xf32, #tpu.memory_space<vmem>>, vector<256x64xf32>
      %sub3A_71 = arith.subf %get3A_70, %get3A_14 : vector<256x64xf32>
      %concatenate3A_72 = tpu.concatenate %get3A_14, %sub3A_71 in 1 : vector<256x64xf32>, vector<256x64xf32> -> vector<256x128xf32>
      %get3A_73 = arith.constant 0 : index
      %get3A_74 = arith.constant 768 : index
      %get3A_75 = vector.load %arg3[%get3A_73, %get3A_74] : memref<256x1280xf32, #tpu.memory_space<vmem>>, vector<256x64xf32>
      %sub3A_76 = arith.subf %get3A_75, %get3A_14 : vector<256x64xf32>
      %concatenate3A_77 = tpu.concatenate %get3A_14, %sub3A_76 in 1 : vector<256x64xf32>, vector<256x64xf32> -> vector<256x128xf32>
      %get3A_78 = arith.constant 0 : index
      %get3A_79 = arith.constant 832 : index
      %get3A_80 = vector.load %arg3[%get3A_78, %get3A_79] : memref<256x1280xf32, #tpu.memory_space<vmem>>, vector<256x64xf32>
      %sub3A_81 = arith.subf %get3A_80, %get3A_14 : vector<256x64xf32>
      %concatenate3A_82 = tpu.concatenate %get3A_14, %sub3A_81 in 1 : vector<256x64xf32>, vector<256x64xf32> -> vector<256x128xf32>
      %get3A_83 = arith.constant 0 : index
      %get3A_84 = arith.constant 896 : index
      %get3A_85 = vector.load %arg3[%get3A_83, %get3A_84] : memref<256x1280xf32, #tpu.memory_space<vmem>>, vector<256x64xf32>
      %sub3A_86 = arith.subf %get3A_85, %get3A_14 : vector<256x64xf32>
      %concatenate3A_87 = tpu.concatenate %get3A_14, %sub3A_86 in 1 : vector<256x64xf32>, vector<256x64xf32> -> vector<256x128xf32>
      %get3A_88 = arith.constant 0 : index
      %get3A_89 = arith.constant 960 : index
      %get3A_90 = vector.load %arg3[%get3A_88, %get3A_89] : memref<256x1280xf32, #tpu.memory_space<vmem>>, vector<256x64xf32>
      %sub3A_91 = arith.subf %get3A_90, %get3A_14 : vector<256x64xf32>
      %concatenate3A_92 = tpu.concatenate %get3A_14, %sub3A_91 in 1 : vector<256x64xf32>, vector<256x64xf32> -> vector<256x128xf32>
      %get3A_93 = arith.constant 0 : index
      %get3A_94 = arith.constant 1024 : index
      %get3A_95 = vector.load %arg3[%get3A_93, %get3A_94] : memref<256x1280xf32, #tpu.memory_space<vmem>>, vector<256x64xf32>
      %sub3A_96 = arith.subf %get3A_95, %get3A_14 : vector<256x64xf32>
      %concatenate3A_97 = tpu.concatenate %get3A_14, %sub3A_96 in 1 : vector<256x64xf32>, vector<256x64xf32> -> vector<256x128xf32>
      %get3A_98 = arith.constant 0 : index
      %get3A_99 = arith.constant 1088 : index
      %get3A_100 = vector.load %arg3[%get3A_98, %get3A_99] : memref<256x1280xf32, #tpu.memory_space<vmem>>, vector<256x64xf32>
      %sub3A_101 = arith.subf %get3A_100, %get3A_14 : vector<256x64xf32>
      %concatenate3A_102 = tpu.concatenate %get3A_14, %sub3A_101 in 1 : vector<256x64xf32>, vector<256x64xf32> -> vector<256x128xf32>
      %get3A_103 = arith.constant 0 : index
      %get3A_104 = arith.constant 1152 : index
      %get3A_105 = vector.load %arg3[%get3A_103, %get3A_104] : memref<256x1280xf32, #tpu.memory_space<vmem>>, vector<256x64xf32>
      %sub3A_106 = arith.subf %get3A_105, %get3A_14 : vector<256x64xf32>
      %concatenate3A_107 = tpu.concatenate %get3A_14, %sub3A_106 in 1 : vector<256x64xf32>, vector<256x64xf32> -> vector<256x128xf32>
      %get3A_108 = arith.constant 0 : index
      %get3A_109 = arith.constant 1216 : index
      %get3A_110 = vector.load %arg3[%get3A_108, %get3A_109] : memref<256x1280xf32, #tpu.memory_space<vmem>>, vector<256x64xf32>
      %sub3A_111 = arith.subf %get3A_110, %get3A_14 : vector<256x64xf32>
      %concatenate3A_112 = tpu.concatenate %get3A_14, %sub3A_111 in 1 : vector<256x64xf32>, vector<256x64xf32> -> vector<256x128xf32>
      %concatenate3A_113 = tpu.concatenate %concatenate3A, %concatenate3A_22, %concatenate3A_27, %concatenate3A_32, %concatenate3A_37, %concatenate3A_42, %concatenate3A_47, %concatenate3A_52, %concatenate3A_57, %concatenate3A_62, %concatenate3A_67, %concatenate3A_72, %concatenate3A_77, %concatenate3A_82, %concatenate3A_87, %concatenate3A_92, %concatenate3A_97, %concatenate3A_102, %concatenate3A_107, %concatenate3A_112 in 0 : vector<256x128xf32>, vector<256x128xf32>, vector<256x128xf32>, vector<256x128xf32>, vector<256x128xf32>, vector<256x128xf32>, vector<256x128xf32>, vector<256x128xf32>, vector<256x128xf32>, vector<256x128xf32>, vector<256x128xf32>, vector<256x128xf32>, vector<256x128xf32>, vector<256x128xf32>, vector<256x128xf32>, vector<256x128xf32>, vector<256x128xf32>, vector<256x128xf32>, vector<256x128xf32>, vector<256x128xf32> -> vector<5120x128xf32>
      %get3A_114 = arith.constant 0 : index
      %get3A_115 = arith.constant 0 : index
      %get3A_116 = vector.load %arg4[%get3A_114, %get3A_115] : memref<128x128xf32, #tpu.memory_space<vmem>>, vector<128x128xf32>
      %dot_general3A = arith.constant dense<0.000000e+00> : vector<5120x128xf32>
      %dot_general3A_117 = tpu.matmul %concatenate3A_113, %get3A_116, %dot_general3A {dimension_numbers = #tpu.dot_dimension_numbers<[1], [0], [0], [1], [0, 0, 1, 1], [], []>, transpose_lhs_hint = false} : vector<5120x128xf32>, vector<128x128xf32>, vector<5120x128xf32> -> vector<5120x128xf32>
      %get3A_118 = arith.constant 0 : index
      %get3A_119 = arith.constant 0 : index
      %get3A_120 = vector.load %arg5[%get3A_118, %get3A_119] : memref<1x128xf32, #tpu.memory_space<vmem>>, vector<1x128xf32>
      %add3A = vector.broadcast %get3A_120 : vector<1x128xf32> to vector<5120x128xf32>
      %add3A_121 = arith.addf %dot_general3A_117, %add3A : vector<5120x128xf32>
      %slice3A = vector.extract_strided_slice %add3A_121 {offsets = [0, 0], sizes = [256, 128], strides = [1, 1]} : vector<5120x128xf32> to vector<256x128xf32>
      %slice3A_122 = vector.extract_strided_slice %add3A_121 {offsets = [256, 0], sizes = [256, 128], strides = [1, 1]} : vector<5120x128xf32> to vector<256x128xf32>
      %max3A = arith.maximumf %slice3A, %slice3A_122 : vector<256x128xf32>
      %slice3A_123 = vector.extract_strided_slice %add3A_121 {offsets = [512, 0], sizes = [256, 128], strides = [1, 1]} : vector<5120x128xf32> to vector<256x128xf32>
      %max3A_124 = arith.maximumf %max3A, %slice3A_123 : vector<256x128xf32>
      %slice3A_125 = vector.extract_strided_slice %add3A_121 {offsets = [768, 0], sizes = [256, 128], strides = [1, 1]} : vector<5120x128xf32> to vector<256x128xf32>
      %max3A_126 = arith.maximumf %max3A_124, %slice3A_125 : vector<256x128xf32>
      %slice3A_127 = vector.extract_strided_slice %add3A_121 {offsets = [1024, 0], sizes = [256, 128], strides = [1, 1]} : vector<5120x128xf32> to vector<256x128xf32>
      %max3A_128 = arith.maximumf %max3A_126, %slice3A_127 : vector<256x128xf32>
      %slice3A_129 = vector.extract_strided_slice %add3A_121 {offsets = [1280, 0], sizes = [256, 128], strides = [1, 1]} : vector<5120x128xf32> to vector<256x128xf32>
      %max3A_130 = arith.maximumf %max3A_128, %slice3A_129 : vector<256x128xf32>
      %slice3A_131 = vector.extract_strided_slice %add3A_121 {offsets = [1536, 0], sizes = [256, 128], strides = [1, 1]} : vector<5120x128xf32> to vector<256x128xf32>
      %max3A_132 = arith.maximumf %max3A_130, %slice3A_131 : vector<256x128xf32>
      %slice3A_133 = vector.extract_strided_slice %add3A_121 {offsets = [1792, 0], sizes = [256, 128], strides = [1, 1]} : vector<5120x128xf32> to vector<256x128xf32>
      %max3A_134 = arith.maximumf %max3A_132, %slice3A_133 : vector<256x128xf32>
      %slice3A_135 = vector.extract_strided_slice %add3A_121 {offsets = [2048, 0], sizes = [256, 128], strides = [1, 1]} : vector<5120x128xf32> to vector<256x128xf32>
      %max3A_136 = arith.maximumf %max3A_134, %slice3A_135 : vector<256x128xf32>
      %slice3A_137 = vector.extract_strided_slice %add3A_121 {offsets = [2304, 0], sizes = [256, 128], strides = [1, 1]} : vector<5120x128xf32> to vector<256x128xf32>
      %max3A_138 = arith.maximumf %max3A_136, %slice3A_137 : vector<256x128xf32>
      %slice3A_139 = vector.extract_strided_slice %add3A_121 {offsets = [2560, 0], sizes = [256, 128], strides = [1, 1]} : vector<5120x128xf32> to vector<256x128xf32>
      %max3A_140 = arith.maximumf %max3A_138, %slice3A_139 : vector<256x128xf32>
      %slice3A_141 = vector.extract_strided_slice %add3A_121 {offsets = [2816, 0], sizes = [256, 128], strides = [1, 1]} : vector<5120x128xf32> to vector<256x128xf32>
      %max3A_142 = arith.maximumf %max3A_140, %slice3A_141 : vector<256x128xf32>
      %slice3A_143 = vector.extract_strided_slice %add3A_121 {offsets = [3072, 0], sizes = [256, 128], strides = [1, 1]} : vector<5120x128xf32> to vector<256x128xf32>
      %max3A_144 = arith.maximumf %max3A_142, %slice3A_143 : vector<256x128xf32>
      %slice3A_145 = vector.extract_strided_slice %add3A_121 {offsets = [3328, 0], sizes = [256, 128], strides = [1, 1]} : vector<5120x128xf32> to vector<256x128xf32>
      %max3A_146 = arith.maximumf %max3A_144, %slice3A_145 : vector<256x128xf32>
      %slice3A_147 = vector.extract_strided_slice %add3A_121 {offsets = [3584, 0], sizes = [256, 128], strides = [1, 1]} : vector<5120x128xf32> to vector<256x128xf32>
      %max3A_148 = arith.maximumf %max3A_146, %slice3A_147 : vector<256x128xf32>
      %slice3A_149 = vector.extract_strided_slice %add3A_121 {offsets = [3840, 0], sizes = [256, 128], strides = [1, 1]} : vector<5120x128xf32> to vector<256x128xf32>
      %max3A_150 = arith.maximumf %max3A_148, %slice3A_149 : vector<256x128xf32>
      %slice3A_151 = vector.extract_strided_slice %add3A_121 {offsets = [4096, 0], sizes = [256, 128], strides = [1, 1]} : vector<5120x128xf32> to vector<256x128xf32>
      %max3A_152 = arith.maximumf %max3A_150, %slice3A_151 : vector<256x128xf32>
      %slice3A_153 = vector.extract_strided_slice %add3A_121 {offsets = [4352, 0], sizes = [256, 128], strides = [1, 1]} : vector<5120x128xf32> to vector<256x128xf32>
      %max3A_154 = arith.maximumf %max3A_152, %slice3A_153 : vector<256x128xf32>
      %slice3A_155 = vector.extract_strided_slice %add3A_121 {offsets = [4608, 0], sizes = [256, 128], strides = [1, 1]} : vector<5120x128xf32> to vector<256x128xf32>
      %max3A_156 = arith.maximumf %max3A_154, %slice3A_155 : vector<256x128xf32>
      %slice3A_157 = vector.extract_strided_slice %add3A_121 {offsets = [4864, 0], sizes = [256, 128], strides = [1, 1]} : vector<5120x128xf32> to vector<256x128xf32>
      %max3A_158 = arith.maximumf %max3A_156, %slice3A_157 : vector<256x128xf32>
      %concatenate3A_159 = tpu.concatenate %get3A_14, %max3A_158 in 1 : vector<256x64xf32>, vector<256x128xf32> -> vector<256x192xf32>
      %get3A_160 = arith.constant 0 : index
      %get3A_161 = arith.constant 0 : index
      %get3A_162 = vector.load %arg6[%get3A_160, %get3A_161] : memref<192x1024xf32, #tpu.memory_space<vmem>>, vector<192x1024xf32>
      %dot_general3A_163 = arith.constant dense<0.000000e+00> : vector<256x1024xf32>
      %dot_general3A_164 = tpu.matmul %concatenate3A_159, %get3A_162, %dot_general3A_163 {dimension_numbers = #tpu.dot_dimension_numbers<[1], [0], [0], [1], [0, 0, 1, 1], [], []>, transpose_lhs_hint = false} : vector<256x192xf32>, vector<192x1024xf32>, vector<256x1024xf32> -> vector<256x1024xf32>
      %get3A_165 = arith.constant 0 : index
      %get3A_166 = arith.constant 0 : index
      %get3A_167 = vector.load %arg7[%get3A_165, %get3A_166] : memref<1x1024xf32, #tpu.memory_space<vmem>>, vector<1x1024xf32>
      %add3A_168 = vector.broadcast %get3A_167 : vector<1x1024xf32> to vector<256x1024xf32>
      %add3A_169 = arith.addf %dot_general3A_164, %add3A_168 : vector<256x1024xf32>
      %mul3A = arith.constant 256 : i32
      %mul3A_170 = arith.muli %arg0, %mul3A : i32
      %iota3A = tpu.iota {dimensions = array<i32: 0>} : vector<256x1xi32>
      %add3A_171 = vector.broadcast %mul3A_170 : i32 to vector<256x1xi32>
      %add3A_172 = arith.addi %add3A_171, %iota3A : vector<256x1xi32>
      %get3A_173 = arith.constant 1 : index
      %get3A_174 = memref.load %arg1[%get3A_173] : memref<17xi32, #tpu.memory_space<smem>>
      %le3A = arith.cmpi sle, %get3A_174, %mul3A_170 : i32
      %jit3A = arith.constant 1 : i32
      %jit3A_175 = arith.constant 0 : i32
      %select_n3A = arith.select %le3A, %jit3A, %jit3A_175 : i32
      %add3A_176 = arith.constant 0 : i32
      %add3A_177 = arith.addi %add3A_176, %select_n3A : i32
      %get3A_178 = arith.constant 0 : index
      %get3A_179 = memref.load %arg1[%get3A_178] : memref<17xi32, #tpu.memory_space<smem>>
      %add3A_180 = arith.constant 256 : i32
      %add3A_181 = arith.addi %mul3A_170, %add3A_180 : i32
      %lt3A_182 = arith.cmpi slt, %get3A_179, %add3A_181 : i32
      %jit3A_183 = arith.constant 1 : i32
      %jit3A_184 = arith.constant 0 : i32
      %select_n3A_185 = arith.select %lt3A_182, %jit3A_183, %jit3A_184 : i32
      %add3A_186 = arith.constant 0 : i32
      %add3A_187 = arith.addi %add3A_186, %select_n3A_185 : i32
      %get3A_188 = arith.constant 2 : index
      %get3A_189 = memref.load %arg1[%get3A_188] : memref<17xi32, #tpu.memory_space<smem>>
      %le3A_190 = arith.cmpi sle, %get3A_189, %mul3A_170 : i32
      %jit3A_191 = arith.constant 1 : i32
      %jit3A_192 = arith.constant 0 : i32
      %select_n3A_193 = arith.select %le3A_190, %jit3A_191, %jit3A_192 : i32
      %add3A_194 = arith.addi %add3A_177, %select_n3A_193 : i32
      %get3A_195 = arith.constant 1 : index
      %get3A_196 = memref.load %arg1[%get3A_195] : memref<17xi32, #tpu.memory_space<smem>>
      %add3A_197 = arith.constant 256 : i32
      %add3A_198 = arith.addi %mul3A_170, %add3A_197 : i32
      %lt3A_199 = arith.cmpi slt, %get3A_196, %add3A_198 : i32
      %jit3A_200 = arith.constant 1 : i32
      %jit3A_201 = arith.constant 0 : i32
      %select_n3A_202 = arith.select %lt3A_199, %jit3A_200, %jit3A_201 : i32
      %add3A_203 = arith.addi %add3A_187, %select_n3A_202 : i32
      %get3A_204 = arith.constant 3 : index
      %get3A_205 = memref.load %arg1[%get3A_204] : memref<17xi32, #tpu.memory_space<smem>>
      %le3A_206 = arith.cmpi sle, %get3A_205, %mul3A_170 : i32
      %jit3A_207 = arith.constant 1 : i32
      %jit3A_208 = arith.constant 0 : i32
      %select_n3A_209 = arith.select %le3A_206, %jit3A_207, %jit3A_208 : i32
      %add3A_210 = arith.addi %add3A_194, %select_n3A_209 : i32
      %get3A_211 = arith.constant 2 : index
      %get3A_212 = memref.load %arg1[%get3A_211] : memref<17xi32, #tpu.memory_space<smem>>
      %add3A_213 = arith.constant 256 : i32
      %add3A_214 = arith.addi %mul3A_170, %add3A_213 : i32
      %lt3A_215 = arith.cmpi slt, %get3A_212, %add3A_214 : i32
      %jit3A_216 = arith.constant 1 : i32
      %jit3A_217 = arith.constant 0 : i32
      %select_n3A_218 = arith.select %lt3A_215, %jit3A_216, %jit3A_217 : i32
      %add3A_219 = arith.addi %add3A_203, %select_n3A_218 : i32
      %get3A_220 = arith.constant 4 : index
      %get3A_221 = memref.load %arg1[%get3A_220] : memref<17xi32, #tpu.memory_space<smem>>
      %le3A_222 = arith.cmpi sle, %get3A_221, %mul3A_170 : i32
      %jit3A_223 = arith.constant 1 : i32
      %jit3A_224 = arith.constant 0 : i32
      %select_n3A_225 = arith.select %le3A_222, %jit3A_223, %jit3A_224 : i32
      %add3A_226 = arith.addi %add3A_210, %select_n3A_225 : i32
      %get3A_227 = arith.constant 3 : index
      %get3A_228 = memref.load %arg1[%get3A_227] : memref<17xi32, #tpu.memory_space<smem>>
      %add3A_229 = arith.constant 256 : i32
      %add3A_230 = arith.addi %mul3A_170, %add3A_229 : i32
      %lt3A_231 = arith.cmpi slt, %get3A_228, %add3A_230 : i32
      %jit3A_232 = arith.constant 1 : i32
      %jit3A_233 = arith.constant 0 : i32
      %select_n3A_234 = arith.select %lt3A_231, %jit3A_232, %jit3A_233 : i32
      %add3A_235 = arith.addi %add3A_219, %select_n3A_234 : i32
      %get3A_236 = arith.constant 5 : index
      %get3A_237 = memref.load %arg1[%get3A_236] : memref<17xi32, #tpu.memory_space<smem>>
      %le3A_238 = arith.cmpi sle, %get3A_237, %mul3A_170 : i32
      %jit3A_239 = arith.constant 1 : i32
      %jit3A_240 = arith.constant 0 : i32
      %select_n3A_241 = arith.select %le3A_238, %jit3A_239, %jit3A_240 : i32
      %add3A_242 = arith.addi %add3A_226, %select_n3A_241 : i32
      %get3A_243 = arith.constant 4 : index
      %get3A_244 = memref.load %arg1[%get3A_243] : memref<17xi32, #tpu.memory_space<smem>>
      %add3A_245 = arith.constant 256 : i32
      %add3A_246 = arith.addi %mul3A_170, %add3A_245 : i32
      %lt3A_247 = arith.cmpi slt, %get3A_244, %add3A_246 : i32
      %jit3A_248 = arith.constant 1 : i32
      %jit3A_249 = arith.constant 0 : i32
      %select_n3A_250 = arith.select %lt3A_247, %jit3A_248, %jit3A_249 : i32
      %add3A_251 = arith.addi %add3A_235, %select_n3A_250 : i32
      %get3A_252 = arith.constant 6 : index
      %get3A_253 = memref.load %arg1[%get3A_252] : memref<17xi32, #tpu.memory_space<smem>>
      %le3A_254 = arith.cmpi sle, %get3A_253, %mul3A_170 : i32
      %jit3A_255 = arith.constant 1 : i32
      %jit3A_256 = arith.constant 0 : i32
      %select_n3A_257 = arith.select %le3A_254, %jit3A_255, %jit3A_256 : i32
      %add3A_258 = arith.addi %add3A_242, %select_n3A_257 : i32
      %get3A_259 = arith.constant 5 : index
      %get3A_260 = memref.load %arg1[%get3A_259] : memref<17xi32, #tpu.memory_space<smem>>
      %add3A_261 = arith.constant 256 : i32
      %add3A_262 = arith.addi %mul3A_170, %add3A_261 : i32
      %lt3A_263 = arith.cmpi slt, %get3A_260, %add3A_262 : i32
      %jit3A_264 = arith.constant 1 : i32
      %jit3A_265 = arith.constant 0 : i32
      %select_n3A_266 = arith.select %lt3A_263, %jit3A_264, %jit3A_265 : i32
      %add3A_267 = arith.addi %add3A_251, %select_n3A_266 : i32
      %get3A_268 = arith.constant 7 : index
      %get3A_269 = memref.load %arg1[%get3A_268] : memref<17xi32, #tpu.memory_space<smem>>
      %le3A_270 = arith.cmpi sle, %get3A_269, %mul3A_170 : i32
      %jit3A_271 = arith.constant 1 : i32
      %jit3A_272 = arith.constant 0 : i32
      %select_n3A_273 = arith.select %le3A_270, %jit3A_271, %jit3A_272 : i32
      %add3A_274 = arith.addi %add3A_258, %select_n3A_273 : i32
      %get3A_275 = arith.constant 6 : index
      %get3A_276 = memref.load %arg1[%get3A_275] : memref<17xi32, #tpu.memory_space<smem>>
      %add3A_277 = arith.constant 256 : i32
      %add3A_278 = arith.addi %mul3A_170, %add3A_277 : i32
      %lt3A_279 = arith.cmpi slt, %get3A_276, %add3A_278 : i32
      %jit3A_280 = arith.constant 1 : i32
      %jit3A_281 = arith.constant 0 : i32
      %select_n3A_282 = arith.select %lt3A_279, %jit3A_280, %jit3A_281 : i32
      %add3A_283 = arith.addi %add3A_267, %select_n3A_282 : i32
      %get3A_284 = arith.constant 8 : index
      %get3A_285 = memref.load %arg1[%get3A_284] : memref<17xi32, #tpu.memory_space<smem>>
      %le3A_286 = arith.cmpi sle, %get3A_285, %mul3A_170 : i32
      %jit3A_287 = arith.constant 1 : i32
      %jit3A_288 = arith.constant 0 : i32
      %select_n3A_289 = arith.select %le3A_286, %jit3A_287, %jit3A_288 : i32
      %add3A_290 = arith.addi %add3A_274, %select_n3A_289 : i32
      %get3A_291 = arith.constant 7 : index
      %get3A_292 = memref.load %arg1[%get3A_291] : memref<17xi32, #tpu.memory_space<smem>>
      %add3A_293 = arith.constant 256 : i32
      %add3A_294 = arith.addi %mul3A_170, %add3A_293 : i32
      %lt3A_295 = arith.cmpi slt, %get3A_292, %add3A_294 : i32
      %jit3A_296 = arith.constant 1 : i32
      %jit3A_297 = arith.constant 0 : i32
      %select_n3A_298 = arith.select %lt3A_295, %jit3A_296, %jit3A_297 : i32
      %add3A_299 = arith.addi %add3A_283, %select_n3A_298 : i32
      %get3A_300 = arith.constant 9 : index
      %get3A_301 = memref.load %arg1[%get3A_300] : memref<17xi32, #tpu.memory_space<smem>>
      %le3A_302 = arith.cmpi sle, %get3A_301, %mul3A_170 : i32
      %jit3A_303 = arith.constant 1 : i32
      %jit3A_304 = arith.constant 0 : i32
      %select_n3A_305 = arith.select %le3A_302, %jit3A_303, %jit3A_304 : i32
      %add3A_306 = arith.addi %add3A_290, %select_n3A_305 : i32
      %get3A_307 = arith.constant 8 : index
      %get3A_308 = memref.load %arg1[%get3A_307] : memref<17xi32, #tpu.memory_space<smem>>
      %add3A_309 = arith.constant 256 : i32
      %add3A_310 = arith.addi %mul3A_170, %add3A_309 : i32
      %lt3A_311 = arith.cmpi slt, %get3A_308, %add3A_310 : i32
      %jit3A_312 = arith.constant 1 : i32
      %jit3A_313 = arith.constant 0 : i32
      %select_n3A_314 = arith.select %lt3A_311, %jit3A_312, %jit3A_313 : i32
      %add3A_315 = arith.addi %add3A_299, %select_n3A_314 : i32
      %get3A_316 = arith.constant 10 : index
      %get3A_317 = memref.load %arg1[%get3A_316] : memref<17xi32, #tpu.memory_space<smem>>
      %le3A_318 = arith.cmpi sle, %get3A_317, %mul3A_170 : i32
      %jit3A_319 = arith.constant 1 : i32
      %jit3A_320 = arith.constant 0 : i32
      %select_n3A_321 = arith.select %le3A_318, %jit3A_319, %jit3A_320 : i32
      %add3A_322 = arith.addi %add3A_306, %select_n3A_321 : i32
      %get3A_323 = arith.constant 9 : index
      %get3A_324 = memref.load %arg1[%get3A_323] : memref<17xi32, #tpu.memory_space<smem>>
      %add3A_325 = arith.constant 256 : i32
      %add3A_326 = arith.addi %mul3A_170, %add3A_325 : i32
      %lt3A_327 = arith.cmpi slt, %get3A_324, %add3A_326 : i32
      %jit3A_328 = arith.constant 1 : i32
      %jit3A_329 = arith.constant 0 : i32
      %select_n3A_330 = arith.select %lt3A_327, %jit3A_328, %jit3A_329 : i32
      %add3A_331 = arith.addi %add3A_315, %select_n3A_330 : i32
      %get3A_332 = arith.constant 11 : index
      %get3A_333 = memref.load %arg1[%get3A_332] : memref<17xi32, #tpu.memory_space<smem>>
      %le3A_334 = arith.cmpi sle, %get3A_333, %mul3A_170 : i32
      %jit3A_335 = arith.constant 1 : i32
      %jit3A_336 = arith.constant 0 : i32
      %select_n3A_337 = arith.select %le3A_334, %jit3A_335, %jit3A_336 : i32
      %add3A_338 = arith.addi %add3A_322, %select_n3A_337 : i32
      %get3A_339 = arith.constant 10 : index
      %get3A_340 = memref.load %arg1[%get3A_339] : memref<17xi32, #tpu.memory_space<smem>>
      %add3A_341 = arith.constant 256 : i32
      %add3A_342 = arith.addi %mul3A_170, %add3A_341 : i32
      %lt3A_343 = arith.cmpi slt, %get3A_340, %add3A_342 : i32
      %jit3A_344 = arith.constant 1 : i32
      %jit3A_345 = arith.constant 0 : i32
      %select_n3A_346 = arith.select %lt3A_343, %jit3A_344, %jit3A_345 : i32
      %add3A_347 = arith.addi %add3A_331, %select_n3A_346 : i32
      %get3A_348 = arith.constant 12 : index
      %get3A_349 = memref.load %arg1[%get3A_348] : memref<17xi32, #tpu.memory_space<smem>>
      %le3A_350 = arith.cmpi sle, %get3A_349, %mul3A_170 : i32
      %jit3A_351 = arith.constant 1 : i32
      %jit3A_352 = arith.constant 0 : i32
      %select_n3A_353 = arith.select %le3A_350, %jit3A_351, %jit3A_352 : i32
      %add3A_354 = arith.addi %add3A_338, %select_n3A_353 : i32
      %get3A_355 = arith.constant 11 : index
      %get3A_356 = memref.load %arg1[%get3A_355] : memref<17xi32, #tpu.memory_space<smem>>
      %add3A_357 = arith.constant 256 : i32
      %add3A_358 = arith.addi %mul3A_170, %add3A_357 : i32
      %lt3A_359 = arith.cmpi slt, %get3A_356, %add3A_358 : i32
      %jit3A_360 = arith.constant 1 : i32
      %jit3A_361 = arith.constant 0 : i32
      %select_n3A_362 = arith.select %lt3A_359, %jit3A_360, %jit3A_361 : i32
      %add3A_363 = arith.addi %add3A_347, %select_n3A_362 : i32
      %get3A_364 = arith.constant 13 : index
      %get3A_365 = memref.load %arg1[%get3A_364] : memref<17xi32, #tpu.memory_space<smem>>
      %le3A_366 = arith.cmpi sle, %get3A_365, %mul3A_170 : i32
      %jit3A_367 = arith.constant 1 : i32
      %jit3A_368 = arith.constant 0 : i32
      %select_n3A_369 = arith.select %le3A_366, %jit3A_367, %jit3A_368 : i32
      %add3A_370 = arith.addi %add3A_354, %select_n3A_369 : i32
      %get3A_371 = arith.constant 12 : index
      %get3A_372 = memref.load %arg1[%get3A_371] : memref<17xi32, #tpu.memory_space<smem>>
      %add3A_373 = arith.constant 256 : i32
      %add3A_374 = arith.addi %mul3A_170, %add3A_373 : i32
      %lt3A_375 = arith.cmpi slt, %get3A_372, %add3A_374 : i32
      %jit3A_376 = arith.constant 1 : i32
      %jit3A_377 = arith.constant 0 : i32
      %select_n3A_378 = arith.select %lt3A_375, %jit3A_376, %jit3A_377 : i32
      %add3A_379 = arith.addi %add3A_363, %select_n3A_378 : i32
      %get3A_380 = arith.constant 14 : index
      %get3A_381 = memref.load %arg1[%get3A_380] : memref<17xi32, #tpu.memory_space<smem>>
      %le3A_382 = arith.cmpi sle, %get3A_381, %mul3A_170 : i32
      %jit3A_383 = arith.constant 1 : i32
      %jit3A_384 = arith.constant 0 : i32
      %select_n3A_385 = arith.select %le3A_382, %jit3A_383, %jit3A_384 : i32
      %add3A_386 = arith.addi %add3A_370, %select_n3A_385 : i32
      %get3A_387 = arith.constant 13 : index
      %get3A_388 = memref.load %arg1[%get3A_387] : memref<17xi32, #tpu.memory_space<smem>>
      %add3A_389 = arith.constant 256 : i32
      %add3A_390 = arith.addi %mul3A_170, %add3A_389 : i32
      %lt3A_391 = arith.cmpi slt, %get3A_388, %add3A_390 : i32
      %jit3A_392 = arith.constant 1 : i32
      %jit3A_393 = arith.constant 0 : i32
      %select_n3A_394 = arith.select %lt3A_391, %jit3A_392, %jit3A_393 : i32
      %add3A_395 = arith.addi %add3A_379, %select_n3A_394 : i32
      %get3A_396 = arith.constant 15 : index
      %get3A_397 = memref.load %arg1[%get3A_396] : memref<17xi32, #tpu.memory_space<smem>>
      %le3A_398 = arith.cmpi sle, %get3A_397, %mul3A_170 : i32
      %jit3A_399 = arith.constant 1 : i32
      %jit3A_400 = arith.constant 0 : i32
      %select_n3A_401 = arith.select %le3A_398, %jit3A_399, %jit3A_400 : i32
      %add3A_402 = arith.addi %add3A_386, %select_n3A_401 : i32
      %get3A_403 = arith.constant 14 : index
      %get3A_404 = memref.load %arg1[%get3A_403] : memref<17xi32, #tpu.memory_space<smem>>
      %add3A_405 = arith.constant 256 : i32
      %add3A_406 = arith.addi %mul3A_170, %add3A_405 : i32
      %lt3A_407 = arith.cmpi slt, %get3A_404, %add3A_406 : i32
      %jit3A_408 = arith.constant 1 : i32
      %jit3A_409 = arith.constant 0 : i32
      %select_n3A_410 = arith.select %lt3A_407, %jit3A_408, %jit3A_409 : i32
      %add3A_411 = arith.addi %add3A_395, %select_n3A_410 : i32
      %get3A_412 = arith.constant 16 : index
      %get3A_413 = memref.load %arg1[%get3A_412] : memref<17xi32, #tpu.memory_space<smem>>
      %le3A_414 = arith.cmpi sle, %get3A_413, %mul3A_170 : i32
      %jit3A_415 = arith.constant 1 : i32
      %jit3A_416 = arith.constant 0 : i32
      %select_n3A_417 = arith.select %le3A_414, %jit3A_415, %jit3A_416 : i32
      %add3A_418 = arith.addi %add3A_402, %select_n3A_417 : i32
      %get3A_419 = arith.constant 15 : index
      %get3A_420 = memref.load %arg1[%get3A_419] : memref<17xi32, #tpu.memory_space<smem>>
      %add3A_421 = arith.constant 256 : i32
      %add3A_422 = arith.addi %mul3A_170, %add3A_421 : i32
      %lt3A_423 = arith.cmpi slt, %get3A_420, %add3A_422 : i32
      %jit3A_424 = arith.constant 1 : i32
      %jit3A_425 = arith.constant 0 : i32
      %select_n3A_426 = arith.select %lt3A_423, %jit3A_424, %jit3A_425 : i32
      %add3A_427 = arith.addi %add3A_411, %select_n3A_426 : i32
      %while3A = arith.constant 0 : i32
      %while3A_428 = arith.subi %add3A_427, %add3A_418 : i32
      %while3A_429 = arith.addi %add3A_418, %while3A_428 : i32
      %while3A_430 = arith.constant 1 : i32
      %while3A_431 = arith.divsi %while3A_428, %while3A_430 : i32
      %while3A_432 = arith.muli %while3A_431, %while3A_430 : i32
      %while3A_433 = arith.addi %add3A_418, %while3A_432 : i32
      %while3A_434 = arith.constant 1 : i32
      %while3A_435 = scf.for %while3A_438 = %add3A_418 to %while3A_433 step %while3A_434 iter_args(%while3A_439 = %while3A) -> (i32)  : i32 {
        %get3A_440 = arith.index_cast %while3A_438 : i32 to index
        %get3A_441 = memref.load %arg1[%get3A_440] : memref<17xi32, #tpu.memory_space<smem>>
        %ge3A = vector.broadcast %get3A_441 : i32 to vector<256x1xi32>
        %ge3A_442 = arith.cmpi sge, %add3A_172, %ge3A : vector<256x1xi32>
        %add3A_443 = arith.constant 1 : i32
        %add3A_444 = arith.addi %while3A_438, %add3A_443 : i32
        %get3A_445 = arith.index_cast %add3A_444 : i32 to index
        %get3A_446 = memref.load %arg1[%get3A_445] : memref<17xi32, #tpu.memory_space<smem>>
        %lt3A_447 = vector.broadcast %get3A_446 : i32 to vector<256x1xi32>
        %lt3A_448 = arith.cmpi slt, %add3A_172, %lt3A_447 : vector<256x1xi32>
        %and3A = arith.andi %ge3A_442, %lt3A_448 : vector<256x1xi1>
        %broadcast_in_dim3A = vector.shape_cast %and3A : vector<256x1xi1> to vector<256x1xi1>
        %broadcast_in_dim3A_449 = vector.broadcast %broadcast_in_dim3A : vector<256x1xi1> to vector<256x1024xi1>
        %broadcast_in_dim3A_450 = vector.broadcast %cond3A_5 : f32 to vector<256x1024xf32>
        %select_n3A_451 = arith.select %broadcast_in_dim3A_449, %add3A_169, %broadcast_in_dim3A_450 : vector<256x1024xi1>, vector<256x1024xf32>
        %reduce_max3A = arith.constant dense<0xFF800000> : vector<1024xf32>
        %reduce_max3A_452 = vector.multi_reduction <maximumf>, %select_n3A_451, %reduce_max3A [0] : vector<256x1024xf32> to vector<1024xf32>
        %broadcast_in_dim3A_453 = vector.shape_cast %reduce_max3A_452 : vector<1024xf32> to vector<1x1024xf32>
        %get3A_454 = arith.index_cast %while3A_438 : i32 to index
        %get3A_455 = arith.constant 0 : index
        %get3A_456 = vector.load %arg15[%get3A_454, %get3A_455] : memref<16x1024xf32, #tpu.memory_space<vmem>>, vector<1x1024xf32>
        %max3A_457 = arith.maximumf %get3A_456, %broadcast_in_dim3A_453 : vector<1x1024xf32>
        %swap3A = arith.index_cast %while3A_438 : i32 to index
        %swap3A_458 = arith.constant 0 : index
        %swap3A_459 = vector.load %arg15[%swap3A, %swap3A_458] : memref<16x1024xf32, #tpu.memory_space<vmem>>, vector<1x1024xf32>
        tpu.vector_store %arg15[%swap3A, %swap3A_458], %max3A_457 {strides = array<i32>} : memref<16x1024xf32, #tpu.memory_space<vmem>>, vector<1x1024xf32>,
        %while3A_460 = arith.constant 0 : i32
        scf.yield %while3A_460 : i32
      }
      %while3A_436 = arith.constant 1 : i32
      %while3A_437 = scf.for %while3A_438 = %while3A_433 to %while3A_429 step %while3A_436 iter_args(%while3A_439 = %while3A_435) -> (i32)  : i32 {
        %get3A_440 = arith.index_cast %while3A_438 : i32 to index
        %get3A_441 = memref.load %arg1[%get3A_440] : memref<17xi32, #tpu.memory_space<smem>>
        %ge3A = vector.broadcast %get3A_441 : i32 to vector<256x1xi32>
        %ge3A_442 = arith.cmpi sge, %add3A_172, %ge3A : vector<256x1xi32>
        %add3A_443 = arith.constant 1 : i32
        %add3A_444 = arith.addi %while3A_438, %add3A_443 : i32
        %get3A_445 = arith.index_cast %add3A_444 : i32 to index
        %get3A_446 = memref.load %arg1[%get3A_445] : memref<17xi32, #tpu.memory_space<smem>>
        %lt3A_447 = vector.broadcast %get3A_446 : i32 to vector<256x1xi32>
        %lt3A_448 = arith.cmpi slt, %add3A_172, %lt3A_447 : vector<256x1xi32>
        %and3A = arith.andi %ge3A_442, %lt3A_448 : vector<256x1xi1>
        %broadcast_in_dim3A = vector.shape_cast %and3A : vector<256x1xi1> to vector<256x1xi1>
        %broadcast_in_dim3A_449 = vector.broadcast %broadcast_in_dim3A : vector<256x1xi1> to vector<256x1024xi1>
        %broadcast_in_dim3A_450 = vector.broadcast %cond3A_5 : f32 to vector<256x1024xf32>
        %select_n3A_451 = arith.select %broadcast_in_dim3A_449, %add3A_169, %broadcast_in_dim3A_450 : vector<256x1024xi1>, vector<256x1024xf32>
        %reduce_max3A = arith.constant dense<0xFF800000> : vector<1024xf32>
        %reduce_max3A_452 = vector.multi_reduction <maximumf>, %select_n3A_451, %reduce_max3A [0] : vector<256x1024xf32> to vector<1024xf32>
        %broadcast_in_dim3A_453 = vector.shape_cast %reduce_max3A_452 : vector<1024xf32> to vector<1x1024xf32>
        %get3A_454 = arith.index_cast %while3A_438 : i32 to index
        %get3A_455 = arith.constant 0 : index
        %get3A_456 = vector.load %arg15[%get3A_454, %get3A_455] : memref<16x1024xf32, #tpu.memory_space<vmem>>, vector<1x1024xf32>
        %max3A_457 = arith.maximumf %get3A_456, %broadcast_in_dim3A_453 : vector<1x1024xf32>
        %swap3A = arith.index_cast %while3A_438 : i32 to index
        %swap3A_458 = arith.constant 0 : index
        %swap3A_459 = vector.load %arg15[%swap3A, %swap3A_458] : memref<16x1024xf32, #tpu.memory_space<vmem>>, vector<1x1024xf32>
        tpu.vector_store %arg15[%swap3A, %swap3A_458], %max3A_457 {strides = array<i32>} : memref<16x1024xf32, #tpu.memory_space<vmem>>, vector<1x1024xf32>,
        %while3A_460 = arith.constant 0 : i32
        scf.yield %while3A_460 : i32
      }
    } else {
    }
    %eq3A_8 = arith.constant 32 : i32
    %eq3A_9 = arith.cmpi eq, %arg0, %eq3A_8 : i32
    %convert_element_type3A_10 = arith.extui %eq3A_9 : i1 to i32
    %cond3A_11 = arith.constant 0 : i32
    %cond3A_12 = arith.cmpi ne, %convert_element_type3A_10, %cond3A_11 : i32
    scf.if %cond3A_12 {
      %get3A = arith.constant 0 : index
      %get3A_13 = arith.constant 0 : index
      %get3A_14 = vector.load %arg15[%get3A, %get3A_13] : memref<16x1024xf32, #tpu.memory_space<vmem>>, vector<16x1024xf32>
      %get3A_15 = arith.constant 0 : index
      %get3A_16 = arith.constant 0 : index
      %get3A_17 = vector.load %arg8[%get3A_15, %get3A_16] : memref<1024x512xf32, #tpu.memory_space<vmem>>, vector<1024x512xf32>
      %dot_general3A = arith.constant dense<0.000000e+00> : vector<16x512xf32>
      %dot_general3A_18 = tpu.matmul %get3A_14, %get3A_17, %dot_general3A {dimension_numbers = #tpu.dot_dimension_numbers<[1], [0], [0], [1], [0, 0, 1, 1], [], []>, transpose_lhs_hint = false} : vector<16x1024xf32>, vector<1024x512xf32>, vector<16x512xf32> -> vector<16x512xf32>
      %get3A_19 = arith.constant 0 : index
      %get3A_20 = arith.constant 0 : index
      %get3A_21 = vector.load %arg9[%get3A_19, %get3A_20] : memref<1x512xf32, #tpu.memory_space<vmem>>, vector<1x512xf32>
      %add3A = vector.broadcast %get3A_21 : vector<1x512xf32> to vector<16x512xf32>
      %add3A_22 = arith.addf %dot_general3A_18, %add3A : vector<16x512xf32>
      %max3A = arith.constant 0.000000e+00 : f32
      %max3A_23 = vector.broadcast %max3A : f32 to vector<16x512xf32>
      %max3A_24 = arith.maximumf %add3A_22, %max3A_23 : vector<16x512xf32>
      %get3A_25 = arith.constant 0 : index
      %get3A_26 = arith.constant 0 : index
      %get3A_27 = vector.load %arg10[%get3A_25, %get3A_26] : memref<512x256xf32, #tpu.memory_space<vmem>>, vector<512x256xf32>
      %dot_general3A_28 = arith.constant dense<0.000000e+00> : vector<16x256xf32>
      %dot_general3A_29 = tpu.matmul %max3A_24, %get3A_27, %dot_general3A_28 {dimension_numbers = #tpu.dot_dimension_numbers<[1], [0], [0], [1], [0, 0, 1, 1], [], []>, transpose_lhs_hint = false} : vector<16x512xf32>, vector<512x256xf32>, vector<16x256xf32> -> vector<16x256xf32>
      %get3A_30 = arith.constant 0 : index
      %get3A_31 = arith.constant 0 : index
      %get3A_32 = vector.load %arg11[%get3A_30, %get3A_31] : memref<1x256xf32, #tpu.memory_space<vmem>>, vector<1x256xf32>
      %add3A_33 = vector.broadcast %get3A_32 : vector<1x256xf32> to vector<16x256xf32>
      %add3A_34 = arith.addf %dot_general3A_29, %add3A_33 : vector<16x256xf32>
      %max3A_35 = arith.constant 0.000000e+00 : f32
      %max3A_36 = vector.broadcast %max3A_35 : f32 to vector<16x256xf32>
      %max3A_37 = arith.maximumf %add3A_34, %max3A_36 : vector<16x256xf32>
      %get3A_38 = arith.constant 0 : index
      %get3A_39 = arith.constant 0 : index
      %get3A_40 = vector.load %arg12[%get3A_38, %get3A_39] : memref<256x40xf32, #tpu.memory_space<vmem>>, vector<256x40xf32>
      %dot_general3A_41 = arith.constant dense<0.000000e+00> : vector<16x40xf32>
      %dot_general3A_42 = tpu.matmul %max3A_37, %get3A_40, %dot_general3A_41 {dimension_numbers = #tpu.dot_dimension_numbers<[1], [0], [0], [1], [0, 0, 1, 1], [], []>, transpose_lhs_hint = false} : vector<16x256xf32>, vector<256x40xf32>, vector<16x40xf32> -> vector<16x40xf32>
      %get3A_43 = arith.constant 0 : index
      %get3A_44 = arith.constant 0 : index
      %get3A_45 = vector.load %arg13[%get3A_43, %get3A_44] : memref<1x40xf32, #tpu.memory_space<vmem>>, vector<1x40xf32>
      %add3A_46 = vector.broadcast %get3A_45 : vector<1x40xf32> to vector<16x40xf32>
      %add3A_47 = arith.addf %dot_general3A_42, %add3A_46 : vector<16x40xf32>
      %swap3A = arith.constant 0 : index
      %swap3A_48 = arith.constant 0 : index
      %swap3A_49 = vector.load %arg14[%swap3A, %swap3A_48] : memref<16x40xf32, #tpu.memory_space<vmem>>, vector<16x40xf32>
      tpu.vector_store %arg14[%swap3A, %swap3A_48], %add3A_47 {strides = array<i32>} : memref<16x40xf32, #tpu.memory_space<vmem>>, vector<16x40xf32>,
    } else {
    }
    return
  }
  func.func @transform_0(%arg0: i32, %arg1: memref<17xi32, #tpu.memory_space<smem>>) -> (i32, i32) {
    %min3A = arith.constant 31 : i32
    %min3A_0 = arith.minsi %arg0, %min3A : i32
    %c0_i32 = arith.constant 0 : i32
    %c0_i32_1 = arith.constant 0 : i32
    return %min3A_0, %c0_i32 : i32, i32
  }
  func.func @transform_1(%arg0: i32, %arg1: memref<17xi32, #tpu.memory_space<smem>>) -> (i32, i32) {
    %min3A = arith.constant 31 : i32
    %min3A_0 = arith.minsi %arg0, %min3A : i32
    %c0_i32 = arith.constant 0 : i32
    %c0_i32_1 = arith.constant 0 : i32
    return %min3A_0, %c0_i32 : i32, i32
  }
  func.func @transform_2(%arg0: i32, %arg1: memref<17xi32, #tpu.memory_space<smem>>) -> (i32, i32) {
    %c0_i32 = arith.constant 0 : i32
    %c0_i32_0 = arith.constant 0 : i32
    %c0_i32_1 = arith.constant 0 : i32
    return %c0_i32, %c0_i32_0 : i32, i32
  }
  func.func @transform_3(%arg0: i32, %arg1: memref<17xi32, #tpu.memory_space<smem>>) -> (i32, i32) {
    %c0_i32 = arith.constant 0 : i32
    %c0_i32_0 = arith.constant 0 : i32
    %c0_i32_1 = arith.constant 0 : i32
    return %c0_i32, %c0_i32_0 : i32, i32
  }
  func.func @transform_4(%arg0: i32, %arg1: memref<17xi32, #tpu.memory_space<smem>>) -> (i32, i32) {
    %c0_i32 = arith.constant 0 : i32
    %c0_i32_0 = arith.constant 0 : i32
    %c0_i32_1 = arith.constant 0 : i32
    return %c0_i32, %c0_i32_0 : i32, i32
  }
  func.func @transform_5(%arg0: i32, %arg1: memref<17xi32, #tpu.memory_space<smem>>) -> (i32, i32) {
    %c0_i32 = arith.constant 0 : i32
    %c0_i32_0 = arith.constant 0 : i32
    %c0_i32_1 = arith.constant 0 : i32
    return %c0_i32, %c0_i32_0 : i32, i32
  }
  func.func @transform_6(%arg0: i32, %arg1: memref<17xi32, #tpu.memory_space<smem>>) -> (i32, i32) {
    %c0_i32 = arith.constant 0 : i32
    %c0_i32_0 = arith.constant 0 : i32
    %c0_i32_1 = arith.constant 0 : i32
    return %c0_i32, %c0_i32_0 : i32, i32
  }
  func.func @transform_7(%arg0: i32, %arg1: memref<17xi32, #tpu.memory_space<smem>>) -> (i32, i32) {
    %c0_i32 = arith.constant 0 : i32
    %c0_i32_0 = arith.constant 0 : i32
    %c0_i32_1 = arith.constant 0 : i32
    return %c0_i32, %c0_i32_0 : i32, i32
  }
  func.func @transform_8(%arg0: i32, %arg1: memref<17xi32, #tpu.memory_space<smem>>) -> (i32, i32) {
    %c0_i32 = arith.constant 0 : i32
    %c0_i32_0 = arith.constant 0 : i32
    %c0_i32_1 = arith.constant 0 : i32
    return %c0_i32, %c0_i32_0 : i32, i32
  }
  func.func @transform_9(%arg0: i32, %arg1: memref<17xi32, #tpu.memory_space<smem>>) -> (i32, i32) {
    %c0_i32 = arith.constant 0 : i32
    %c0_i32_0 = arith.constant 0 : i32
    %c0_i32_1 = arith.constant 0 : i32
    return %c0_i32, %c0_i32_0 : i32, i32
  }
  func.func @transform_10(%arg0: i32, %arg1: memref<17xi32, #tpu.memory_space<smem>>) -> (i32, i32) {
    %c0_i32 = arith.constant 0 : i32
    %c0_i32_0 = arith.constant 0 : i32
    %c0_i32_1 = arith.constant 0 : i32
    return %c0_i32, %c0_i32_0 : i32, i32
  }
  func.func @transform_11(%arg0: i32, %arg1: memref<17xi32, #tpu.memory_space<smem>>) -> (i32, i32) {
    %c0_i32 = arith.constant 0 : i32
    %c0_i32_0 = arith.constant 0 : i32
    %c0_i32_1 = arith.constant 0 : i32
    return %c0_i32, %c0_i32_0 : i32, i32
  }
  func.func @transform_12(%arg0: i32, %arg1: memref<17xi32, #tpu.memory_space<smem>>) -> (i32, i32) {
    %c0_i32 = arith.constant 0 : i32
    %c0_i32_0 = arith.constant 0 : i32
    %c0_i32_1 = arith.constant 0 : i32
    return %c0_i32, %c0_i32_0 : i32, i32
  }
}

</mosaic_0001>

<sc_bundles>
// kernel: kernel.11.cloned.1.call-start
scs
__scs_entry_jumppad:
0x0: {  	(pc) =	sbr.rel $0x88, $3  }
0x1: {  	(tag) =	ssettag $0x0;
	lr =	simm.s32 $0x1  }
0x2: {  	[smem:$0x3F87] =	sst lr;
	_ =	strace $0xD0000000  }
0x3: {  	_ = 	snop  }
0x4: {  	_ = 	snop  }
0x5: {  	_ = 	snop  }
0x6: {  	_ = 	snop  }
0x7: {  	_ = 	snop  }
__scs_overlays_trampoline_lowered:
0x8: {  	[smem:$0x3F96] =	sst s0  }
0x9: {  	[smem:$0x3F97] =	sst s1  }
0xa: {  	[smem:$0x3F98] =	sst s2  }
0xb: {  	[smem:$0x3F99] =	sst s3  }
0xc: {  	[smem:$0x3F9A] =	sst s4  }
0xd: {  	[smem:$0x3F9B] =	sst s5  }
0xe: {  	[smem:$0x3F9C] =	sst s6  }
0xf: {  	[smem:$0x3F9D] =	sst s7  }
0x10: {  	[smem:$0x3F9E] =	sst s8  }
0x11: {  	[smem:$0x3F9F] =	sst s9;
	s0 =	simm.s32 @!p0 $0x0  }
0x12: {  	s1 =	sld [smem:$0x3F85];
	s0 =	simm.s32 @p0 $0x1  }
0x13: {  	[smem:$0x3FA0] =	sst s0;
	s0 =	simm.s32 @!p1 $0x0  }
0x14: {  	s2 =	sld [smem:$0x3F84];
	s0 =	simm.s32 @p1 $0x1  }
0x15: {  	[smem:$0x3FA1] =	sst s0;
	s0 =	simm.s32 @!p2 $0x0  }
0x16: {  	s3 =	sld [smem:$0x3FDB];
	s0 =	simm.s32 @p2 $0x1  }
0x17: {  	s4 =	simm.s32 $0x1BF5;
	[smem:$0x3FA3] =	sst s0  }
0x18: {  	s0 =	sld [smem:$0x3F86];
	_ =	swait.ge [sflag:s4], $0x0  }
0x19: {  	s7 =	sld [smem:$0x3F87]  }
0x1a: {  	s8 =	sadd.s32 $0xFFFFE003, lr  }
0x1b: {  	s9 =	sadd.s32 $0xFFFFFEF7, lr;
	s5 =	simm.s32 $0xFFFFFFFF;
	p2 =	slt.u32 s8, $0xFFFFF086  }
0x1c: {  	p1 =	slt.u32 s9, $0xF7A;
	s5 =	simm.s32 @!p2 $0x0  }
0x1d: {  	s5 =	simm.s32 @p1 $0x1;
	p0 =	seq.s32 s7, s2  }
0x1e: {  	s7 =	smul.u32 @!p0 $0xF7A, s2;
	p2 =	seq.s32 @!p0 s5, $0x0  }
0x1f: {  	s9 =	smul.u32 $0xF7A, s1;
	s8 =	simm.s32 @!p0 $0x1BF5;
	p2 =	por !p2, p0  }
0x20: {  	[sflag:s8] =	ssyncset.s32 @!p0 $0xFFFFF086;
	s6 =	sadd.s32 @!p0 s3, s7;
	s7 =	simm.s32 @!p0 $0x108  }
0x21: {  	s3 =	sadd.s32 s3, s9;
	s6 =	sadd.s32 @!p0 $0x88, s6;
	s7 =	simm.s32 @p2 $0x1082  }
0x22: {  	[simem:s7], [sflag:s8] =	dma.local @!p0 [hbm:s6], $0xF7A  }
0x23: {  	s9 =	sor.u32 $0xD0000000, s2;
	s6 =	simm.s32 $0x108;
	_ =	swait.ge @!p0 [sflag:s8], $0x0  }
0x24: {  	s3 =	sadd.s32 $0x88, s3;
	s6 =	simm.s32 @!p1 $0x1082;
	[sflag:s4] =	ssyncset.s32 $0xFFFFF086  }
0x25: {  	[simem:s6], [sflag:s4] =	dma.local [hbm:s3], $0xF7A  }
0x26: {  	[smem:$0x3F87] =	sst s1;
	(tag) =	ssettag s2;
	_ =	strace s9  }
0x27: {  	s1 =	sld [smem:$0x3F97]  }
0x28: {  	s2 =	sld [smem:$0x3F98]  }
0x29: {  	s4 =	sld [smem:$0x3F9A]  }
0x2a: {  	p0 =	seq.s32 s5, $0x0;
	s5 =	sld [smem:$0x3F9B]  }
0x2b: {  	s6 =	sld [smem:$0x3F9C]  }
0x2c: {  	s7 =	sld [smem:$0x3F9D]  }
0x2d: {  	s3 =	simm.s32 $0x108;
	s8 =	sld [smem:$0x3F9E]  }
0x2e: {  	s3 =	simm.s32 @!p0 $0x1082;
	s9 =	sld [smem:$0x3F9F]  }
0x2f: {  	lr =	sadd.s32 s0, s3;
	s0 =	sld [smem:$0x3F96]  }
0x30: {  	s3 =	sld [smem:$0x3F99]  }
0x31: {  	[smem:$0x3FA2] =	sst s10  }
0x32: {  	s10 =	sld [smem:$0x3FA0];
	_ =	sdelay $0x3  }
0x33: {  	p0 =	seq.s32 s10, $0x1;
	s10 =	sld [smem:$0x3FA2];
	_ =	sdelay $0x3  }
0x34: {  	[smem:$0x3FA2] =	sst s10  }
0x35: {  	s10 =	sld [smem:$0x3FA1];
	_ =	sdelay $0x3  }
0x36: {  	p1 =	seq.s32 s10, $0x1;
	s10 =	sld [smem:$0x3FA2];
	_ =	sdelay $0x3  }
0x37: {  	[smem:$0x3FA2] =	sst s10  }
0x38: {  	s10 =	sld [smem:$0x3FA3]  }
0x39: {  	_ = 	snop;
	(pc) =	sbr.ind lr, $3  }
0x3a: {  	_ = 	snop  }
0x3b: {  	_ = 	snop  }
0x3c: {  	p2 =	seq.s32 s10, $0x1;
	s10 =	sld [smem:$0x3FA2]  }
0x3d: {  	_ =	shalt  }
0x3e: {  	_ =	shalt  }
0x3f: {  	_ =	shalt  }
0x40: {  	_ =	shalt  }
0x41: {  	_ =	shalt  }
0x42: {  	_ =	shalt  }
0x43: {  	_ =	shalt  }
0x44: {  	_ =	shalt  }
0x45: {  	_ =	shalt  }
0x46: {  	_ =	shalt  }
0x47: {  	_ =	shalt  }
0x48: {  	_ =	shalt  }
0x49: {  	_ =	shalt  }
0x4a: {  	_ =	shalt  }
0x4b: {  	_ =	shalt  }
0x4c: {  	_ =	shalt  }
0x4d: {  	_ =	shalt  }
0x4e: {  	_ =	shalt  }
0x4f: {  	_ =	shalt  }
0x50: {  	_ =	shalt  }
0x51: {  	_ =	shalt  }
0x52: {  	_ =	shalt  }
0x53: {  	_ =	shalt  }
0x54: {  	_ =	shalt  }
0x55: {  	_ =	shalt  }
0x56: {  	_ =	shalt  }
0x57: {  	_ =	shalt  }
0x58: {  	_ =	shalt  }
0x59: {  	_ =	shalt  }
0x5a: {  	_ =	shalt  }
0x5b: {  	_ =	shalt  }
0x5c: {  	_ =	shalt  }
0x5d: {  	_ =	shalt  }
0x5e: {  	_ =	shalt  }
0x5f: {  	_ =	shalt  }
0x60: {  	_ =	shalt  }
0x61: {  	_ =	shalt  }
0x62: {  	_ =	shalt  }
0x63: {  	_ =	shalt  }
0x64: {  	_ =	shalt  }
0x65: {  	_ =	shalt  }
0x66: {  	_ =	shalt  }
0x67: {  	_ =	shalt  }
0x68: {  	_ =	shalt  }
0x69: {  	_ =	shalt  }
0x6a: {  	_ =	shalt  }
0x6b: {  	_ =	shalt  }
0x6c: {  	_ =	shalt  }
0x6d: {  	_ =	shalt  }
0x6e: {  	_ =	shalt  }
0x6f: {  	_ =	shalt  }
0x70: {  	_ =	shalt  }
0x71: {  	_ =	shalt  }
0x72: {  	_ =	shalt  }
0x73: {  	_ =	shalt  }
0x74: {  	_ =	shalt  }
0x75: {  	_ =	shalt  }
0x76: {  	_ =	shalt  }
0x77: {  	_ =	shalt  }
0x78: {  	_ =	shalt  }
0x79: {  	_ =	shalt  }
0x7a: {  	_ =	shalt  }
0x7b: {  	_ =	shalt  }
0x7c: {  	_ =	shalt  }
0x7d: {  	_ =	shalt  }
0x7e: {  	_ =	shalt  }
0x7f: {  	_ =	shalt  }
0x80: {  	_ =	shalt  }
0x81: {  	_ =	shalt  }
0x82: {  	_ =	shalt  }
0x83: {  	_ =	shalt  }
0x84: {  	_ =	shalt  }
0x85: {  	_ =	shalt  }
0x86: {  	_ =	shalt  }
0x87: {  	_ =	shalt  }
.Lfunc_end0:
.L_simem_size_0:
called_computation.1_lowered:
.L_overlay_start_0:
0x88: {  	s2 =	sld [smem:$0x3FD9]  }
0x89: {  	s3 =	sld [smem:$0x3FFE];
	_ =	sdelay $0x1  }
0x8a: {  	s1 =	srdreg.scid  }
0x8b: {  	s0 =	sand.u32 $0x1, s1  }
0x8c: {  	s16 =	sshll.u32 s0, $0xA;
	s2 =	sadd.s32 s3, s2  }
0x8d: {  	s2 =	sadd.s32 s2, s16  }
0x8e: {  	[smem:$0x3FAE] =	sst s2  }
0x8f: {  	_ = 	snop  }
0x90: {  	(tm) =	ssettm $0x1  }
0x91: {  	s17 =	sld [smem:$0x3FFB];
	_ =	sdelay $0x3  }
0x92: {  	_ =	strace s17  }
0x93: {  	s2 =	sld [smem:$0x3FFC];
	_ =	sdelay $0x3  }
0x94: {  	_ =	strace s2  }
0x95: {  	s2 =	sld [smem:$0x3FFD];
	_ =	sdelay $0x3  }
0x96: {  	_ =	strace s2  }
0x97: {  	_ =	strace $0x8FFFFFFF  }
0x98: {  	s18 =	sld [smem:$0x3FDB];
	_ =	sdelay $0x1  }
0x99: {  	s19 =	simm.s32 $_scs_section_size  }
0x9a: {  	s4 =	simm.s32 $_size__tile_overlayer_lowered;
	s5 =	simm.s32 $_tile_overlayer_lowered  }
0x9b: {  	s22 =	simm.s32 $0x1BFF;
	s21 =	sshll.u32 s5, $0x1;
	s2 =	sadd.s32 s19, s18  }
0x9c: {  	s6 =	simm.s32 $0x0;
	s20 =	sshll.u32 s4, $0x1;
	s4 =	sadd.s32 s21, s2  }
0x9d: {  	[timem:s6], [sflag:s22] =	dma.local [hbm:s4], s20  }
0x9e: {  	_ =	swait.ge [sflag:s22], s20  }
0x9f: {  	s3 =	ssub.s32 $0x0, s20;
	[sflag:s22] =	ssyncset.done $0x0  }
0xa0: {  	[sflag:s22] =	ssyncadd.s32 s3;
	_ =	sdelay $0x1  }
0xa1: {  	s23 =	simm.s32 $0x1B8B  }
0xa2: {  	_ =	swait.ge [sflag:s23], $0x1  }
0xa3: {  	[sflag:s23] =	ssyncset.done $0x0  }
0xa4: {  	s25 =	simm.s32 $0x1B8E;
	s24 =	sld [smem:$0x3FFE];
	[sflag:s23] =	ssyncadd.s32 $0xFFFFFFFF  }
0xa5: {  	s26 =	simm.s32 $execute0_lowered;
	[smem:$0x3FD2] =	sst s25  }
0xa6: {  	s4 =	sshll.u32 s26, $0x1;
	_ =	strace $0x80000049;
	[dreg:$0x1] =	wrdreg $0xFFFFFFFF  }
0xa7: {  	s28 =	simm.s32 $_size_execute0_lowered;
	s2 =	sadd.s32 s2, s4;
	[dreg:$0x0] =	wrdreg $0x0  }
0xa8: {  	s4 =	sshll.u32 s28, $0x1;
	[dreg:$0x2] =	wrdreg s2  }
0xa9: {  	[dreg:$0x3] =	wrdreg s4  }
0xaa: {  	[dreg:$0x4] =	wrdreg $0xC0  }
0xab: {  	_ =	task [dreg:s6], $0x5FFFF  }
0xac: {  	[dreg:$0x1] =	wrdreg $0xFFFFFFFF  }
0xad: {  	[dreg:$0x0] =	wrdreg $0x60  }
0xae: {  	[dreg:$0x2] =	wrdreg s24  }
0xaf: {  	[dreg:$0x3] =	wrdreg $0x9  }
0xb0: {  	_ =	task.clear_ibuf [dreg:s6], $0x4FFFF;
	_ =	strace $0x90000049  }
0xb1: {  	s29 =	simm.s32 $0x9;
	_ =	strace $0x8000004B  }
0xb2: {  	_ =	swait.ge [sflag:s29], $0x1  }
0xb3: {  	[sflag:s29] =	ssyncadd.s32 $0xFFFFFFFF  }
0xb4: {  	_ =	strace $0x9000004B  }
0xb5: {  	_ =	sfence  }
0xb6: {  	s30 =	sld [smem:$0x0];
	_ =	sdelay $0x2  }
0xb7: {  	s31 =	sshll.u32 s1, $0xD;
	s1 =	sshrl.u32 s1, $0x2  }
0xb8: {  	s3 =	sand.u32 $0x4000, s31;
	s1 =	sadd.s32 s1, s30  }
0xb9: {  	s0 =	sor.u32 s3, s0;
	s1 =	sshll.u32 s1, $0x11  }
0xba: {  	s0 =	sor.u32 s1, s0  }
0xbb: {  	s0 =	sadd.s32 $0x8F2B, s0  }
0xbc: {  	[sflag:s0] =	ssyncadd.remote.s32 $0x1  }
0xbd: {  	_ =	sfence.sel $0xFFFF  }
0xbe: {  	[dreg:$0x0] =	wrdreg $0xFFFFFFFF;
	(pc) =	sbr.abs _section_cstart, $3  }
0xbf: {  	[dreg:$0x1] =	wrdreg $0xFFFFFFFF  }
0xc0: {  	_ =	task.clear_ibuf [dreg:s6], $0x2FFFF;
	_ =	strace $0x9FFFFFFF  }
0xc1: {  	(tm) =	ssettm $0x7FFFFFFF  }
tec
execute0_lowered:
.L_overlay_start_1:
0x0: {  	(tag) =	ssettag $0x1  }
0x1: {  	s1 =	srdreg.scid;
	s0 =	stileid.u32  }
0x2: {  	s24 =	sand.u32 $0x1, s1;
	s30 =	sshll.u32 s0, $0x1  }
0x3: {  	s14 =	sor.u32 s24, s30  }
0x4: {  	s10 =	rddreg [dreg:$0x0];
	s3 =	smul.u32 $0x280, s14  }
0x5: {  	s2 =	simm.s32 $0x0;
	s1 =	rddreg [dreg:$0x1]  }
0x6: {  	[smem:$0x7FF] =	sst s2;
	s3 =	sadd.s32 s3, s10  }
0x7: {  	_ =	strace $0x8000004A;
	s4 =	sadd.s32 $0x15600, s3;
	s3 =	simm.s32 $0x3  }
0x8: {  	[tilespmem:s2], [sflag:$0x3] =	stream.linear.gather [hbm4b:s4+s2], $0x1400, $0x38;
	[tilespmem:$0x15400] =	vst v63  }
0x9: {  	_ =	swait.ge [sflag:s3], $0x1400  }
0xa: {  	s6 =	simm.s32 $0x280;
	[sflag:s3] =	ssyncset.done $0x0  }
0xb: {  	s7 =	simm.s32 $0x1400;
	s5 =	sadd.s32 $0x4200, s10;
	[sflag:s3] =	ssyncadd.s32 $0xFFFFEC00  }
0xc: {  	[tilespmem:s7], [sflag:$0x1] =	stream.indirect.gather [hbm4b:s5+s6], $0x40, s2, s6, $0xb8;
	[tilespmem:$0x15400] =	vst v63  }
0xd: {  	s8 =	simm.s32 $0xB400;
	s9 =	simm.s32 $0x1  }
0xe: {  	[tilespmem:s8], [sflag:$0x2] =	stream.indirect.gather [hbm4b:s5+s6], $0x40, s6, s6, $0xb8;
	[tilespmem:$0x15400] =	vst v63  }
0xf: {  	s11 =	smul.u32 $0xA000, s14;
	_ =	swait.ge [sflag:s9], $0xA000  }
0x10: {  	s15 =	sadd.s32 $0x1AE00, s10;
	[sflag:s9] =	ssyncset.done $0x0  }
0x11: {  	s10 =	sadd.s32 s15, s11;
	[sflag:s9] =	ssyncadd.s32 $0xFFFF6000  }
0x12: {  	[hbm4b:s10+s2] =	stream.linear.scatter [tilespmem:s7], [sflag:$0x3], $0xA000, $0x38;
	[tilespmem:$0x15400] =	vst v63  }
0x13: {  	_ =	swait.ge [sflag:s3], $0xA000  }
0x14: {  	[sflag:s3] =	ssyncset.done $0x0  }
0x15: {  	s12 =	simm.s32 $0x2;
	s11 =	simm.s32 $0x500;
	[sflag:s3] =	ssyncadd.s32 $0xFFFF6000  }
0x16: {  	[tilespmem:s7], [sflag:$0x1] =	stream.indirect.gather [hbm4b:s5+s6], $0x40, s11, s6, $0xb8;
	[tilespmem:$0x15400] =	vst v63  }
0x17: {  	_ =	swait.ge [sflag:s12], $0xA000  }
0x18: {  	[sflag:s12] =	ssyncset.done $0x0  }
0x19: {  	s13 =	sadd.s32 $0x1400, s10;
	[sflag:s12] =	ssyncadd.s32 $0xFFFF6000  }
0x1a: {  	[hbm4b:s13+s2] =	stream.linear.scatter [tilespmem:s8], [sflag:$0x3], $0xA000, $0x38;
	[tilespmem:$0x15400] =	vst v63  }
0x1b: {  	_ =	swait.ge [sflag:s3], $0xA000  }
0x1c: {  	[sflag:s3] =	ssyncset.done $0x0  }
0x1d: {  	s16 =	smul.u32 $0x50000, s14;
	s14 =	simm.s32 $0x780;
	[sflag:s3] =	ssyncadd.s32 $0xFFFF6000  }
0x1e: {  	[tilespmem:s8], [sflag:$0x2] =	stream.indirect.gather [hbm4b:s5+s6], $0x40, s14, s6, $0xb8;
	[tilespmem:$0x15400] =	vst v63  }
0x1f: {  	s16 =	sshrl.u32 s16, $0x3;
	_ =	swait.ge [sflag:s9], $0xA000  }
0x20: {  	s25 =	sadd.s32 s15, s16;
	[sflag:s9] =	ssyncset.done $0x0  }
0x21: {  	s15 =	sadd.s32 $0x2800, s25;
	[sflag:s9] =	ssyncadd.s32 $0xFFFF6000  }
0x22: {  	[hbm4b:s15+s2] =	stream.linear.scatter [tilespmem:s7], [sflag:$0x3], $0xA000, $0x38;
	[tilespmem:$0x15400] =	vst v63  }
0x23: {  	_ =	swait.ge [sflag:s3], $0xA000  }
0x24: {  	[sflag:s3] =	ssyncset.done $0x0  }
0x25: {  	s16 =	simm.s32 $0xA00;
	[sflag:s3] =	ssyncadd.s32 $0xFFFF6000  }
0x26: {  	[tilespmem:s7], [sflag:$0x1] =	stream.indirect.gather [hbm4b:s5+s6], $0x40, s16, s6, $0xb8;
	[tilespmem:$0x15400] =	vst v63  }
0x27: {  	_ =	swait.ge [sflag:s12], $0xA000  }
0x28: {  	[sflag:s12] =	ssyncset.done $0x0  }
0x29: {  	s17 =	sadd.s32 $0x3C00, s25;
	[sflag:s12] =	ssyncadd.s32 $0xFFFF6000  }
0x2a: {  	[hbm4b:s17+s2] =	stream.linear.scatter [tilespmem:s8], [sflag:$0x3], $0xA000, $0x38;
	[tilespmem:$0x15400] =	vst v63  }
0x2b: {  	_ =	swait.ge [sflag:s3], $0xA000  }
0x2c: {  	[sflag:s3] =	ssyncset.done $0x0  }
0x2d: {  	s18 =	simm.s32 $0xC80;
	[sflag:s3] =	ssyncadd.s32 $0xFFFF6000  }
0x2e: {  	[tilespmem:s8], [sflag:$0x2] =	stream.indirect.gather [hbm4b:s5+s6], $0x40, s18, s6, $0xb8;
	[tilespmem:$0x15400] =	vst v63  }
0x2f: {  	_ =	swait.ge [sflag:s9], $0xA000  }
0x30: {  	[sflag:s9] =	ssyncset.done $0x0  }
0x31: {  	s19 =	sadd.s32 $0x5000, s25;
	[sflag:s9] =	ssyncadd.s32 $0xFFFF6000  }
0x32: {  	[hbm4b:s19+s2] =	stream.linear.scatter [tilespmem:s7], [sflag:$0x3], $0xA000, $0x38;
	[tilespmem:$0x15400] =	vst v63  }
0x33: {  	_ =	swait.ge [sflag:s3], $0xA000  }
0x34: {  	[sflag:s3] =	ssyncset.done $0x0  }
0x35: {  	s20 =	simm.s32 $0xF00;
	[sflag:s3] =	ssyncadd.s32 $0xFFFF6000  }
0x36: {  	[tilespmem:s7], [sflag:$0x1] =	stream.indirect.gather [hbm4b:s5+s6], $0x40, s20, s6, $0xb8;
	[tilespmem:$0x15400] =	vst v63  }
0x37: {  	_ =	swait.ge [sflag:s12], $0xA000  }
0x38: {  	[sflag:s12] =	ssyncset.done $0x0  }
0x39: {  	s21 =	sadd.s32 $0x6400, s25;
	[sflag:s12] =	ssyncadd.s32 $0xFFFF6000  }
0x3a: {  	[hbm4b:s21+s2] =	stream.linear.scatter [tilespmem:s8], [sflag:$0x3], $0xA000, $0x38;
	[tilespmem:$0x15400] =	vst v63  }
0x3b: {  	_ =	swait.ge [sflag:s3], $0xA000  }
0x3c: {  	[sflag:s3] =	ssyncset.done $0x0  }
0x3d: {  	s22 =	simm.s32 $0x1180;
	[sflag:s3] =	ssyncadd.s32 $0xFFFF6000  }
0x3e: {  	[tilespmem:s8], [sflag:$0x2] =	stream.indirect.gather [hbm4b:s5+s6], $0x40, s22, s6, $0xb8;
	[tilespmem:$0x15400] =	vst v63  }
0x3f: {  	_ =	swait.ge [sflag:s9], $0xA000  }
0x40: {  	[sflag:s9] =	ssyncset.done $0x0  }
0x41: {  	s24 =	ssub.s32 $0x2, s24;
	s23 =	sadd.s32 $0x7800, s25;
	[sflag:s9] =	ssyncadd.s32 $0xFFFF6000  }
0x42: {  	[hbm4b:s23+s2] =	stream.linear.scatter [tilespmem:s7], [sflag:$0x3], $0xA000, $0x38;
	[tilespmem:$0x15400] =	vst v63  }
0x43: {  	s26 =	sshrl.u32 s24, $0x1;
	_ =	swait.ge [sflag:s3], $0xA000  }
0x44: {  	s26 =	ssub.s32 s24, s26;
	[sflag:s3] =	ssyncset.done $0x0  }
0x45: {  	s31 =	smax.u32 s26, $0x1;
	[sflag:s3] =	ssyncadd.s32 $0xFFFF6000  }
0x46: {  	p0 =	sne.s32 s31, $0x1;
	_ =	swait.ge [sflag:s12], $0xA000  }
.Ltmp0:
0x47: {  	[sflag:s12] =	ssyncset.done $0x0;
	(pc) =	sbr.rel @!p0 .LBB2_2-.Ltmp0, $4  }
0x48: {  	s24 =	sadd.s32 $0x8C00, s25;
	[sflag:s12] =	ssyncadd.s32 $0xFFFF6000  }
0x49: {  	[hbm4b:s24+s2] =	stream.linear.scatter [tilespmem:s8], [sflag:$0x3], $0xA000, $0x38;
	[tilespmem:$0x15400] =	vst v63  }
0x4a: {  	_ =	swait.ge [sflag:s3], $0xA000  }
0x4b: {  	s25 =	sadd.s32 $0xFFFFFFFF, s31;
	[sflag:s3] =	ssyncset.done $0x0  }
.LBB2_1:
0x4c: {  	p0 =	sne.s32 s25, $0x1;
	s25 =	sadd.s32 $0xFFFFFFFF, s25;
	[sflag:s3] =	ssyncadd.s32 $0xFFFF6000  }
0x4d: {  	[tilespmem:s2], [sflag:$0x3] =	stream.linear.gather [hbm4b:s4+s2], $0x1400, $0x38;
	[tilespmem:$0x15400] =	vst v63  }
0x4e: {  	_ =	swait.ge [sflag:s3], $0x1400  }
0x4f: {  	[sflag:s3] =	ssyncset.done $0x0  }
0x50: {  	[sflag:s3] =	ssyncadd.s32 $0xFFFFEC00  }
0x51: {  	[tilespmem:s7], [sflag:$0x1] =	stream.indirect.gather [hbm4b:s5+s6], $0x40, s2, s6, $0xb8;
	[tilespmem:$0x15400] =	vst v63  }
0x52: {  	_ = 	snop  }
0x53: {  	[tilespmem:s8], [sflag:$0x2] =	stream.indirect.gather [hbm4b:s5+s6], $0x40, s6, s6, $0xb8;
	[tilespmem:$0x15400] =	vst v63  }
0x54: {  	_ =	swait.ge [sflag:s9], $0xA000  }
0x55: {  	[sflag:s9] =	ssyncset.done $0x0  }
0x56: {  	[sflag:s9] =	ssyncadd.s32 $0xFFFF6000  }
0x57: {  	[hbm4b:s10+s2] =	stream.linear.scatter [tilespmem:s7], [sflag:$0x3], $0xA000, $0x38;
	[tilespmem:$0x15400] =	vst v63  }
0x58: {  	_ =	swait.ge [sflag:s3], $0xA000  }
0x59: {  	[sflag:s3] =	ssyncset.done $0x0  }
0x5a: {  	[sflag:s3] =	ssyncadd.s32 $0xFFFF6000  }
0x5b: {  	[tilespmem:s7], [sflag:$0x1] =	stream.indirect.gather [hbm4b:s5+s6], $0x40, s11, s6, $0xb8;
	[tilespmem:$0x15400] =	vst v63  }
0x5c: {  	_ =	swait.ge [sflag:s12], $0xA000  }
0x5d: {  	[sflag:s12] =	ssyncset.done $0x0  }
0x5e: {  	[sflag:s12] =	ssyncadd.s32 $0xFFFF6000  }
0x5f: {  	[hbm4b:s13+s2] =	stream.linear.scatter [tilespmem:s8], [sflag:$0x3], $0xA000, $0x38;
	[tilespmem:$0x15400] =	vst v63  }
0x60: {  	_ =	swait.ge [sflag:s3], $0xA000  }
0x61: {  	[sflag:s3] =	ssyncset.done $0x0  }
0x62: {  	[sflag:s3] =	ssyncadd.s32 $0xFFFF6000  }
0x63: {  	[tilespmem:s8], [sflag:$0x2] =	stream.indirect.gather [hbm4b:s5+s6], $0x40, s14, s6, $0xb8;
	[tilespmem:$0x15400] =	vst v63  }
0x64: {  	_ =	swait.ge [sflag:s9], $0xA000  }
0x65: {  	[sflag:s9] =	ssyncset.done $0x0  }
0x66: {  	[sflag:s9] =	ssyncadd.s32 $0xFFFF6000  }
0x67: {  	[hbm4b:s15+s2] =	stream.linear.scatter [tilespmem:s7], [sflag:$0x3], $0xA000, $0x38;
	[tilespmem:$0x15400] =	vst v63  }
0x68: {  	_ =	swait.ge [sflag:s3], $0xA000  }
0x69: {  	[sflag:s3] =	ssyncset.done $0x0  }
0x6a: {  	[sflag:s3] =	ssyncadd.s32 $0xFFFF6000  }
0x6b: {  	[tilespmem:s7], [sflag:$0x1] =	stream.indirect.gather [hbm4b:s5+s6], $0x40, s16, s6, $0xb8;
	[tilespmem:$0x15400] =	vst v63  }
0x6c: {  	_ =	swait.ge [sflag:s12], $0xA000  }
0x6d: {  	[sflag:s12] =	ssyncset.done $0x0  }
0x6e: {  	[sflag:s12] =	ssyncadd.s32 $0xFFFF6000  }
0x6f: {  	[hbm4b:s17+s2] =	stream.linear.scatter [tilespmem:s8], [sflag:$0x3], $0xA000, $0x38;
	[tilespmem:$0x15400] =	vst v63  }
0x70: {  	_ =	swait.ge [sflag:s3], $0xA000  }
0x71: {  	[sflag:s3] =	ssyncset.done $0x0  }
0x72: {  	[sflag:s3] =	ssyncadd.s32 $0xFFFF6000  }
0x73: {  	[tilespmem:s8], [sflag:$0x2] =	stream.indirect.gather [hbm4b:s5+s6], $0x40, s18, s6, $0xb8;
	[tilespmem:$0x15400] =	vst v63  }
0x74: {  	_ =	swait.ge [sflag:s9], $0xA000  }
0x75: {  	[sflag:s9] =	ssyncset.done $0x0  }
0x76: {  	[sflag:s9] =	ssyncadd.s32 $0xFFFF6000  }
0x77: {  	[hbm4b:s19+s2] =	stream.linear.scatter [tilespmem:s7], [sflag:$0x3], $0xA000, $0x38;
	[tilespmem:$0x15400] =	vst v63  }
0x78: {  	_ =	swait.ge [sflag:s3], $0xA000  }
0x79: {  	[sflag:s3] =	ssyncset.done $0x0  }
0x7a: {  	[sflag:s3] =	ssyncadd.s32 $0xFFFF6000  }
0x7b: {  	[tilespmem:s7], [sflag:$0x1] =	stream.indirect.gather [hbm4b:s5+s6], $0x40, s20, s6, $0xb8;
	[tilespmem:$0x15400] =	vst v63  }
0x7c: {  	_ =	swait.ge [sflag:s12], $0xA000  }
0x7d: {  	[sflag:s12] =	ssyncset.done $0x0  }
0x7e: {  	[sflag:s12] =	ssyncadd.s32 $0xFFFF6000  }
0x7f: {  	[hbm4b:s21+s2] =	stream.linear.scatter [tilespmem:s8], [sflag:$0x3], $0xA000, $0x38;
	[tilespmem:$0x15400] =	vst v63  }
0x80: {  	_ =	swait.ge [sflag:s3], $0xA000  }
0x81: {  	[sflag:s3] =	ssyncset.done $0x0  }
0x82: {  	[sflag:s3] =	ssyncadd.s32 $0xFFFF6000  }
0x83: {  	[tilespmem:s8], [sflag:$0x2] =	stream.indirect.gather [hbm4b:s5+s6], $0x40, s22, s6, $0xb8;
	[tilespmem:$0x15400] =	vst v63  }
0x84: {  	_ =	swait.ge [sflag:s9], $0xA000  }
0x85: {  	[sflag:s9] =	ssyncset.done $0x0  }
0x86: {  	[sflag:s9] =	ssyncadd.s32 $0xFFFF6000  }
0x87: {  	[hbm4b:s23+s2] =	stream.linear.scatter [tilespmem:s7], [sflag:$0x3], $0xA000, $0x38;
	[tilespmem:$0x15400] =	vst v63  }
0x88: {  	_ =	swait.ge [sflag:s3], $0xA000  }
0x89: {  	[sflag:s3] =	ssyncset.done $0x0  }
0x8a: {  	[sflag:s3] =	ssyncadd.s32 $0xFFFF6000  }
0x8b: {  	_ =	swait.ge [sflag:s12], $0xA000  }
.Ltmp1:
0x8c: {  	[sflag:s12] =	ssyncset.done $0x0;
	(pc) =	sbr.rel @p0 .LBB2_1-.Ltmp1, $4  }
0x8d: {  	[sflag:s12] =	ssyncadd.s32 $0xFFFF6000  }
0x8e: {  	[hbm4b:s24+s2] =	stream.linear.scatter [tilespmem:s8], [sflag:$0x3], $0xA000, $0x38;
	[tilespmem:$0x15400] =	vst v63  }
0x8f: {  	_ =	swait.ge [sflag:s3], $0xA000  }
0x90: {  	[sflag:s3] =	ssyncset.done $0x0  }
.LBB2_2:
0x91: {  	[sflag:s3] =	ssyncadd.s32 $0xFFFF6000  }
0x92: {  	_ =	sfence.sel $0x180000  }
0x93: {  	[bflag:$0x0] =	sbarrier.arrive $0xFFFF  }
0x94: {  	p0 =	sne.s32 s0, $0x0;
	_ =	strace $0x9000004A  }
0x95: {  	s0 =	sadd.s32 @!p0 $0x100000, s1;
	[bflag:$0x2] =	sbarrier.arrive $0xFFFF  }
0x96: {  	[sflag:s0] =	ssyncadd.tile.s32 @!p0 $0x1;
	_ =	shalt  }
.Lfunc_end2:
_tile_overlayer_lowered:
.L_overlay_start_2:
0x97: {  	(tag) =	ssettag $0x2  }
0x98: {  	s0 =	rddreg [dreg:$0x0];
	s2 =	stileid.u32  }
0x99: {  	s1 =	rddreg [dreg:$0x1];
	p0 =	sne.s32 s2, $0x0  }
0x9a: {  	s3 =	rddreg [dreg:$0x2];
	[bflag:$0x3] =	sbarrier.arrive $0xFFFF;
	s2 =	simm.s32 @!p0 $0x1C03  }
0x9b: {  	[timem:s3], [sflag:s2] =	dma.local @!p0 [hbm:s0], s1  }
0x9c: {  	s0 =	simm.s32 @!p0 $0x3  }
0x9d: {  	_ =	swait.ge @!p0 [sflag:s0], s1  }
0x9e: {  	s1 =	ssub.s32 @!p0 $0x0, s1;
	[sflag:s0] =	ssyncset.done @!p0 $0x0  }
0x9f: {  	[sflag:s0] =	ssyncadd.s32 @!p0 s1  }
0xa0: {  	[bflag:$0x3] =	sbarrier.arrive $0xFFFF  }
0xa1: {  	_ =	shalt  }

// kernel: kernel.8.cloned.1.call-start
scs
__scs_entry_jumppad:
0x0: {  	(pc) =	sbr.rel $0x88, $3  }
0x1: {  	(tag) =	ssettag $0x0;
	lr =	simm.s32 $0x1  }
0x2: {  	[smem:$0x3F87] =	sst lr;
	_ =	strace $0xD0000000  }
0x3: {  	_ = 	snop  }
0x4: {  	_ = 	snop  }
0x5: {  	_ = 	snop  }
0x6: {  	_ = 	snop  }
0x7: {  	_ = 	snop  }
__scs_overlays_trampoline_lowered:
0x8: {  	[smem:$0x3F96] =	sst s0  }
0x9: {  	[smem:$0x3F97] =	sst s1  }
0xa: {  	[smem:$0x3F98] =	sst s2  }
0xb: {  	[smem:$0x3F99] =	sst s3  }
0xc: {  	[smem:$0x3F9A] =	sst s4  }
0xd: {  	[smem:$0x3F9B] =	sst s5  }
0xe: {  	[smem:$0x3F9C] =	sst s6  }
0xf: {  	[smem:$0x3F9D] =	sst s7  }
0x10: {  	[smem:$0x3F9E] =	sst s8  }
0x11: {  	[smem:$0x3F9F] =	sst s9;
	s0 =	simm.s32 @!p0 $0x0  }
0x12: {  	s1 =	sld [smem:$0x3F85];
	s0 =	simm.s32 @p0 $0x1  }
0x13: {  	[smem:$0x3FA0] =	sst s0;
	s0 =	simm.s32 @!p1 $0x0  }
0x14: {  	s2 =	sld [smem:$0x3F84];
	s0 =	simm.s32 @p1 $0x1  }
0x15: {  	[smem:$0x3FA1] =	sst s0;
	s0 =	simm.s32 @!p2 $0x0  }
0x16: {  	s3 =	sld [smem:$0x3FDB];
	s0 =	simm.s32 @p2 $0x1  }
0x17: {  	s4 =	simm.s32 $0x1BF5;
	[smem:$0x3FA3] =	sst s0  }
0x18: {  	s0 =	sld [smem:$0x3F86];
	_ =	swait.ge [sflag:s4], $0x0  }
0x19: {  	s7 =	sld [smem:$0x3F87]  }
0x1a: {  	s8 =	sadd.s32 $0xFFFFE003, lr  }
0x1b: {  	s9 =	sadd.s32 $0xFFFFFEF7, lr;
	s5 =	simm.s32 $0xFFFFFFFF;
	p2 =	slt.u32 s8, $0xFFFFF086  }
0x1c: {  	p1 =	slt.u32 s9, $0xF7A;
	s5 =	simm.s32 @!p2 $0x0  }
0x1d: {  	s5 =	simm.s32 @p1 $0x1;
	p0 =	seq.s32 s7, s2  }
0x1e: {  	s7 =	smul.u32 @!p0 $0xF7A, s2;
	p2 =	seq.s32 @!p0 s5, $0x0  }
0x1f: {  	s9 =	smul.u32 $0xF7A, s1;
	s8 =	simm.s32 @!p0 $0x1BF5;
	p2 =	por !p2, p0  }
0x20: {  	[sflag:s8] =	ssyncset.s32 @!p0 $0xFFFFF086;
	s6 =	sadd.s32 @!p0 s3, s7;
	s7 =	simm.s32 @!p0 $0x108  }
0x21: {  	s3 =	sadd.s32 s3, s9;
	s6 =	sadd.s32 @!p0 $0x88, s6;
	s7 =	simm.s32 @p2 $0x1082  }
0x22: {  	[simem:s7], [sflag:s8] =	dma.local @!p0 [hbm:s6], $0xF7A  }
0x23: {  	s9 =	sor.u32 $0xD0000000, s2;
	s6 =	simm.s32 $0x108;
	_ =	swait.ge @!p0 [sflag:s8], $0x0  }
0x24: {  	s3 =	sadd.s32 $0x88, s3;
	s6 =	simm.s32 @!p1 $0x1082;
	[sflag:s4] =	ssyncset.s32 $0xFFFFF086  }
0x25: {  	[simem:s6], [sflag:s4] =	dma.local [hbm:s3], $0xF7A  }
0x26: {  	[smem:$0x3F87] =	sst s1;
	(tag) =	ssettag s2;
	_ =	strace s9  }
0x27: {  	s1 =	sld [smem:$0x3F97]  }
0x28: {  	s2 =	sld [smem:$0x3F98]  }
0x29: {  	s4 =	sld [smem:$0x3F9A]  }
0x2a: {  	p0 =	seq.s32 s5, $0x0;
	s5 =	sld [smem:$0x3F9B]  }
0x2b: {  	s6 =	sld [smem:$0x3F9C]  }
0x2c: {  	s7 =	sld [smem:$0x3F9D]  }
0x2d: {  	s3 =	simm.s32 $0x108;
	s8 =	sld [smem:$0x3F9E]  }
0x2e: {  	s3 =	simm.s32 @!p0 $0x1082;
	s9 =	sld [smem:$0x3F9F]  }
0x2f: {  	lr =	sadd.s32 s0, s3;
	s0 =	sld [smem:$0x3F96]  }
0x30: {  	s3 =	sld [smem:$0x3F99]  }
0x31: {  	[smem:$0x3FA2] =	sst s10  }
0x32: {  	s10 =	sld [smem:$0x3FA0];
	_ =	sdelay $0x3  }
0x33: {  	p0 =	seq.s32 s10, $0x1;
	s10 =	sld [smem:$0x3FA2];
	_ =	sdelay $0x3  }
0x34: {  	[smem:$0x3FA2] =	sst s10  }
0x35: {  	s10 =	sld [smem:$0x3FA1];
	_ =	sdelay $0x3  }
0x36: {  	p1 =	seq.s32 s10, $0x1;
	s10 =	sld [smem:$0x3FA2];
	_ =	sdelay $0x3  }
0x37: {  	[smem:$0x3FA2] =	sst s10  }
0x38: {  	s10 =	sld [smem:$0x3FA3]  }
0x39: {  	_ = 	snop;
	(pc) =	sbr.ind lr, $3  }
0x3a: {  	_ = 	snop  }
0x3b: {  	_ = 	snop  }
0x3c: {  	p2 =	seq.s32 s10, $0x1;
	s10 =	sld [smem:$0x3FA2]  }
0x3d: {  	_ =	shalt  }
0x3e: {  	_ =	shalt  }
0x3f: {  	_ =	shalt  }
0x40: {  	_ =	shalt  }
0x41: {  	_ =	shalt  }
0x42: {  	_ =	shalt  }
0x43: {  	_ =	shalt  }
0x44: {  	_ =	shalt  }
0x45: {  	_ =	shalt  }
0x46: {  	_ =	shalt  }
0x47: {  	_ =	shalt  }
0x48: {  	_ =	shalt  }
0x49: {  	_ =	shalt  }
0x4a: {  	_ =	shalt  }
0x4b: {  	_ =	shalt  }
0x4c: {  	_ =	shalt  }
0x4d: {  	_ =	shalt  }
0x4e: {  	_ =	shalt  }
0x4f: {  	_ =	shalt  }
0x50: {  	_ =	shalt  }
0x51: {  	_ =	shalt  }
0x52: {  	_ =	shalt  }
0x53: {  	_ =	shalt  }
0x54: {  	_ =	shalt  }
0x55: {  	_ =	shalt  }
0x56: {  	_ =	shalt  }
0x57: {  	_ =	shalt  }
0x58: {  	_ =	shalt  }
0x59: {  	_ =	shalt  }
0x5a: {  	_ =	shalt  }
0x5b: {  	_ =	shalt  }
0x5c: {  	_ =	shalt  }
0x5d: {  	_ =	shalt  }
0x5e: {  	_ =	shalt  }
0x5f: {  	_ =	shalt  }
0x60: {  	_ =	shalt  }
0x61: {  	_ =	shalt  }
0x62: {  	_ =	shalt  }
0x63: {  	_ =	shalt  }
0x64: {  	_ =	shalt  }
0x65: {  	_ =	shalt  }
0x66: {  	_ =	shalt  }
0x67: {  	_ =	shalt  }
0x68: {  	_ =	shalt  }
0x69: {  	_ =	shalt  }
0x6a: {  	_ =	shalt  }
0x6b: {  	_ =	shalt  }
0x6c: {  	_ =	shalt  }
0x6d: {  	_ =	shalt  }
0x6e: {  	_ =	shalt  }
0x6f: {  	_ =	shalt  }
0x70: {  	_ =	shalt  }
0x71: {  	_ =	shalt  }
0x72: {  	_ =	shalt  }
0x73: {  	_ =	shalt  }
0x74: {  	_ =	shalt  }
0x75: {  	_ =	shalt  }
0x76: {  	_ =	shalt  }
0x77: {  	_ =	shalt  }
0x78: {  	_ =	shalt  }
0x79: {  	_ =	shalt  }
0x7a: {  	_ =	shalt  }
0x7b: {  	_ =	shalt  }
0x7c: {  	_ =	shalt  }
0x7d: {  	_ =	shalt  }
0x7e: {  	_ =	shalt  }
0x7f: {  	_ =	shalt  }
0x80: {  	_ =	shalt  }
0x81: {  	_ =	shalt  }
0x82: {  	_ =	shalt  }
0x83: {  	_ =	shalt  }
0x84: {  	_ =	shalt  }
0x85: {  	_ =	shalt  }
0x86: {  	_ =	shalt  }
0x87: {  	_ =	shalt  }
.Lfunc_end0:
.L_simem_size_0:
called_computation_lowered:
.L_overlay_start_0:
0x88: {  	s2 =	sld [smem:$0x3FD9]  }
0x89: {  	s3 =	sld [smem:$0x3FFE];
	_ =	sdelay $0x1  }
0x8a: {  	s1 =	srdreg.scid  }
0x8b: {  	s0 =	sand.u32 $0x1, s1  }
0x8c: {  	s16 =	sshll.u32 s0, $0xA;
	s2 =	sadd.s32 s3, s2  }
0x8d: {  	s2 =	sadd.s32 s2, s16  }
0x8e: {  	[smem:$0x3FAE] =	sst s2  }
0x8f: {  	_ = 	snop  }
0x90: {  	(tm) =	ssettm $0x1  }
0x91: {  	s17 =	sld [smem:$0x3FFB];
	_ =	sdelay $0x3  }
0x92: {  	_ =	strace s17  }
0x93: {  	s2 =	sld [smem:$0x3FFC];
	_ =	sdelay $0x3  }
0x94: {  	_ =	strace s2  }
0x95: {  	s2 =	sld [smem:$0x3FFD];
	_ =	sdelay $0x3  }
0x96: {  	_ =	strace s2  }
0x97: {  	_ =	strace $0x8FFFFFFF  }
0x98: {  	s18 =	sld [smem:$0x3FDB];
	_ =	sdelay $0x1  }
0x99: {  	s19 =	simm.s32 $_scs_section_size  }
0x9a: {  	s4 =	simm.s32 $_size__tile_overlayer_lowered;
	s5 =	simm.s32 $_tile_overlayer_lowered  }
0x9b: {  	s22 =	simm.s32 $0x1BFF;
	s21 =	sshll.u32 s5, $0x1;
	s2 =	sadd.s32 s19, s18  }
0x9c: {  	s6 =	simm.s32 $0x0;
	s20 =	sshll.u32 s4, $0x1;
	s4 =	sadd.s32 s21, s2  }
0x9d: {  	[timem:s6], [sflag:s22] =	dma.local [hbm:s4], s20  }
0x9e: {  	_ =	swait.ge [sflag:s22], s20  }
0x9f: {  	s3 =	ssub.s32 $0x0, s20;
	[sflag:s22] =	ssyncset.done $0x0  }
0xa0: {  	[sflag:s22] =	ssyncadd.s32 s3;
	_ =	sdelay $0x1  }
0xa1: {  	s23 =	simm.s32 $0x1B8B  }
0xa2: {  	_ =	swait.ge [sflag:s23], $0x1  }
0xa3: {  	[sflag:s23] =	ssyncset.done $0x0  }
0xa4: {  	s25 =	simm.s32 $0x1B8E;
	s24 =	sld [smem:$0x3FFE];
	[sflag:s23] =	ssyncadd.s32 $0xFFFFFFFF  }
0xa5: {  	s26 =	simm.s32 $execute0_lowered;
	[smem:$0x3FD2] =	sst s25  }
0xa6: {  	s4 =	sshll.u32 s26, $0x1;
	_ =	strace $0x80000046;
	[dreg:$0x1] =	wrdreg $0xFFFFFFFF  }
0xa7: {  	s28 =	simm.s32 $_size_execute0_lowered;
	s2 =	sadd.s32 s2, s4;
	[dreg:$0x0] =	wrdreg $0x0  }
0xa8: {  	s4 =	sshll.u32 s28, $0x1;
	[dreg:$0x2] =	wrdreg s2  }
0xa9: {  	[dreg:$0x3] =	wrdreg s4  }
0xaa: {  	[dreg:$0x4] =	wrdreg $0xC0  }
0xab: {  	_ =	task [dreg:s6], $0x5FFFF  }
0xac: {  	[dreg:$0x1] =	wrdreg $0xFFFFFFFF  }
0xad: {  	[dreg:$0x0] =	wrdreg $0x60  }
0xae: {  	[dreg:$0x2] =	wrdreg s24  }
0xaf: {  	[dreg:$0x3] =	wrdreg $0x9  }
0xb0: {  	_ =	task.clear_ibuf [dreg:s6], $0x4FFFF;
	_ =	strace $0x90000046  }
0xb1: {  	s29 =	simm.s32 $0x9;
	_ =	strace $0x80000048  }
0xb2: {  	_ =	swait.ge [sflag:s29], $0x1  }
0xb3: {  	[sflag:s29] =	ssyncadd.s32 $0xFFFFFFFF  }
0xb4: {  	_ =	strace $0x90000048  }
0xb5: {  	_ =	sfence  }
0xb6: {  	s30 =	sld [smem:$0x0];
	_ =	sdelay $0x2  }
0xb7: {  	s31 =	sshll.u32 s1, $0xD;
	s1 =	sshrl.u32 s1, $0x2  }
0xb8: {  	s3 =	sand.u32 $0x4000, s31;
	s1 =	sadd.s32 s1, s30  }
0xb9: {  	s0 =	sor.u32 s3, s0;
	s1 =	sshll.u32 s1, $0x11  }
0xba: {  	s0 =	sor.u32 s1, s0  }
0xbb: {  	s0 =	sadd.s32 $0x8F2B, s0  }
0xbc: {  	[sflag:s0] =	ssyncadd.remote.s32 $0x1  }
0xbd: {  	_ =	sfence.sel $0xFFFF  }
0xbe: {  	[dreg:$0x0] =	wrdreg $0xFFFFFFFF;
	(pc) =	sbr.abs _section_cstart, $3  }
0xbf: {  	[dreg:$0x1] =	wrdreg $0xFFFFFFFF  }
0xc0: {  	_ =	task.clear_ibuf [dreg:s6], $0x2FFFF;
	_ =	strace $0x9FFFFFFF  }
0xc1: {  	(tm) =	ssettm $0x7FFFFFFF  }
tec
execute0_lowered:
.L_overlay_start_1:
0x0: {  	(tag) =	ssettag $0x1  }
0x1: {  	s1 =	srdreg.scid;
	s0 =	stileid.u32  }
0x2: {  	s16 =	sand.u32 $0x1, s1;
	s30 =	sshll.u32 s0, $0x1  }
0x3: {  	s11 =	sor.u32 s16, s30  }
0x4: {  	s10 =	rddreg [dreg:$0x0];
	s3 =	smul.u32 $0x280, s11  }
0x5: {  	s2 =	simm.s32 $0x0;
	s1 =	rddreg [dreg:$0x1]  }
0x6: {  	[smem:$0x7FF] =	sst s2;
	s3 =	sadd.s32 s3, s10  }
0x7: {  	_ =	strace $0x80000047;
	s4 =	sadd.s32 $0x4200, s3;
	s3 =	simm.s32 $0x3  }
0x8: {  	[tilespmem:s2], [sflag:$0x3] =	stream.linear.gather [hbm4b:s4+s2], $0x1400, $0x38;
	[tilespmem:$0x6400] =	vst v63  }
0x9: {  	_ =	swait.ge [sflag:s3], $0x1400  }
0xa: {  	s6 =	simm.s32 $0x500;
	[sflag:s3] =	ssyncset.done $0x0  }
0xb: {  	s7 =	simm.s32 $0x1400;
	s5 =	sadd.s32 $0x9A00, s10;
	[sflag:s3] =	ssyncadd.s32 $0xFFFFEC00  }
0xc: {  	[tilespmem:s7], [sflag:$0x1] =	stream.indirect.gather [hbm4b:s5+s6], $0x8, s2, s6, $0xb8;
	[tilespmem:$0x6400] =	vst v63  }
0xd: {  	s8 =	simm.s32 $0x3C00;
	s9 =	simm.s32 $0x1  }
0xe: {  	[tilespmem:s8], [sflag:$0x2] =	stream.indirect.gather [hbm4b:s5+s6], $0x8, s6, s6, $0xb8;
	[tilespmem:$0x6400] =	vst v63  }
0xf: {  	s12 =	smul.u32 $0x1400, s11;
	_ =	swait.ge [sflag:s9], $0x2800  }
0x10: {  	s13 =	sadd.s32 $0xBA00, s10;
	[sflag:s9] =	ssyncset.done $0x0  }
0x11: {  	s10 =	sadd.s32 s13, s12;
	[sflag:s9] =	ssyncadd.s32 $0xFFFFD800  }
0x12: {  	[hbm4b:s10+s2] =	stream.linear.scatter [tilespmem:s7], [sflag:$0x3], $0x2800, $0x38;
	[tilespmem:$0x6400] =	vst v63  }
0x13: {  	_ =	swait.ge [sflag:s3], $0x2800  }
0x14: {  	s14 =	smul.u32 $0xA000, s11;
	[sflag:s3] =	ssyncset.done $0x0  }
0x15: {  	s11 =	simm.s32 $0xA00;
	s12 =	simm.s32 $0x2;
	[sflag:s3] =	ssyncadd.s32 $0xFFFFD800  }
0x16: {  	[tilespmem:s7], [sflag:$0x1] =	stream.indirect.gather [hbm4b:s5+s6], $0x8, s11, s6, $0xb8;
	[tilespmem:$0x6400] =	vst v63  }
0x17: {  	s14 =	sshrl.u32 s14, $0x3;
	_ =	swait.ge [sflag:s12], $0x2800  }
0x18: {  	s17 =	sadd.s32 s13, s14;
	[sflag:s12] =	ssyncset.done $0x0  }
0x19: {  	s13 =	sadd.s32 $0x500, s17;
	[sflag:s12] =	ssyncadd.s32 $0xFFFFD800  }
0x1a: {  	[hbm4b:s13+s2] =	stream.linear.scatter [tilespmem:s8], [sflag:$0x3], $0x2800, $0x38;
	[tilespmem:$0x6400] =	vst v63  }
0x1b: {  	_ =	swait.ge [sflag:s3], $0x2800  }
0x1c: {  	[sflag:s3] =	ssyncset.done $0x0  }
0x1d: {  	s14 =	simm.s32 $0xF00;
	[sflag:s3] =	ssyncadd.s32 $0xFFFFD800  }
0x1e: {  	[tilespmem:s8], [sflag:$0x2] =	stream.indirect.gather [hbm4b:s5+s6], $0x8, s14, s6, $0xb8;
	[tilespmem:$0x6400] =	vst v63  }
0x1f: {  	_ =	swait.ge [sflag:s9], $0x2800  }
0x20: {  	[sflag:s9] =	ssyncset.done $0x0  }
0x21: {  	s16 =	ssub.s32 $0x2, s16;
	s15 =	sadd.s32 $0xA00, s17;
	[sflag:s9] =	ssyncadd.s32 $0xFFFFD800  }
0x22: {  	[hbm4b:s15+s2] =	stream.linear.scatter [tilespmem:s7], [sflag:$0x3], $0x2800, $0x38;
	[tilespmem:$0x6400] =	vst v63  }
0x23: {  	s18 =	sshrl.u32 s16, $0x1;
	_ =	swait.ge [sflag:s3], $0x2800  }
0x24: {  	s18 =	ssub.s32 s16, s18;
	[sflag:s3] =	ssyncset.done $0x0  }
0x25: {  	s31 =	smax.u32 s18, $0x1;
	[sflag:s3] =	ssyncadd.s32 $0xFFFFD800  }
0x26: {  	p0 =	sne.s32 s31, $0x1;
	_ =	swait.ge [sflag:s12], $0x2800  }
.Ltmp0:
0x27: {  	[sflag:s12] =	ssyncset.done $0x0;
	(pc) =	sbr.rel @!p0 .LBB2_2-.Ltmp0, $4  }
0x28: {  	s16 =	sadd.s32 $0xF00, s17;
	[sflag:s12] =	ssyncadd.s32 $0xFFFFD800  }
0x29: {  	[hbm4b:s16+s2] =	stream.linear.scatter [tilespmem:s8], [sflag:$0x3], $0x2800, $0x38;
	[tilespmem:$0x6400] =	vst v63  }
0x2a: {  	_ =	swait.ge [sflag:s3], $0x2800  }
0x2b: {  	s17 =	sadd.s32 $0xFFFFFFFF, s31;
	[sflag:s3] =	ssyncset.done $0x0  }
.LBB2_1:
0x2c: {  	p0 =	sne.s32 s17, $0x1;
	s17 =	sadd.s32 $0xFFFFFFFF, s17;
	[sflag:s3] =	ssyncadd.s32 $0xFFFFD800  }
0x2d: {  	[tilespmem:s2], [sflag:$0x3] =	stream.linear.gather [hbm4b:s4+s2], $0x1400, $0x38;
	[tilespmem:$0x6400] =	vst v63  }
0x2e: {  	_ =	swait.ge [sflag:s3], $0x1400  }
0x2f: {  	[sflag:s3] =	ssyncset.done $0x0  }
0x30: {  	[sflag:s3] =	ssyncadd.s32 $0xFFFFEC00  }
0x31: {  	[tilespmem:s7], [sflag:$0x1] =	stream.indirect.gather [hbm4b:s5+s6], $0x8, s2, s6, $0xb8;
	[tilespmem:$0x6400] =	vst v63  }
0x32: {  	_ = 	snop  }
0x33: {  	[tilespmem:s8], [sflag:$0x2] =	stream.indirect.gather [hbm4b:s5+s6], $0x8, s6, s6, $0xb8;
	[tilespmem:$0x6400] =	vst v63  }
0x34: {  	_ =	swait.ge [sflag:s9], $0x2800  }
0x35: {  	[sflag:s9] =	ssyncset.done $0x0  }
0x36: {  	[sflag:s9] =	ssyncadd.s32 $0xFFFFD800  }
0x37: {  	[hbm4b:s10+s2] =	stream.linear.scatter [tilespmem:s7], [sflag:$0x3], $0x2800, $0x38;
	[tilespmem:$0x6400] =	vst v63  }
0x38: {  	_ =	swait.ge [sflag:s3], $0x2800  }
0x39: {  	[sflag:s3] =	ssyncset.done $0x0  }
0x3a: {  	[sflag:s3] =	ssyncadd.s32 $0xFFFFD800  }
0x3b: {  	[tilespmem:s7], [sflag:$0x1] =	stream.indirect.gather [hbm4b:s5+s6], $0x8, s11, s6, $0xb8;
	[tilespmem:$0x6400] =	vst v63  }
0x3c: {  	_ =	swait.ge [sflag:s12], $0x2800  }
0x3d: {  	[sflag:s12] =	ssyncset.done $0x0  }
0x3e: {  	[sflag:s12] =	ssyncadd.s32 $0xFFFFD800  }
0x3f: {  	[hbm4b:s13+s2] =	stream.linear.scatter [tilespmem:s8], [sflag:$0x3], $0x2800, $0x38;
	[tilespmem:$0x6400] =	vst v63  }
0x40: {  	_ =	swait.ge [sflag:s3], $0x2800  }
0x41: {  	[sflag:s3] =	ssyncset.done $0x0  }
0x42: {  	[sflag:s3] =	ssyncadd.s32 $0xFFFFD800  }
0x43: {  	[tilespmem:s8], [sflag:$0x2] =	stream.indirect.gather [hbm4b:s5+s6], $0x8, s14, s6, $0xb8;
	[tilespmem:$0x6400] =	vst v63  }
0x44: {  	_ =	swait.ge [sflag:s9], $0x2800  }
0x45: {  	[sflag:s9] =	ssyncset.done $0x0  }
0x46: {  	[sflag:s9] =	ssyncadd.s32 $0xFFFFD800  }
0x47: {  	[hbm4b:s15+s2] =	stream.linear.scatter [tilespmem:s7], [sflag:$0x3], $0x2800, $0x38;
	[tilespmem:$0x6400] =	vst v63  }
0x48: {  	_ =	swait.ge [sflag:s3], $0x2800  }
0x49: {  	[sflag:s3] =	ssyncset.done $0x0  }
0x4a: {  	[sflag:s3] =	ssyncadd.s32 $0xFFFFD800  }
0x4b: {  	_ =	swait.ge [sflag:s12], $0x2800  }
.Ltmp1:
0x4c: {  	[sflag:s12] =	ssyncset.done $0x0;
	(pc) =	sbr.rel @p0 .LBB2_1-.Ltmp1, $4  }
0x4d: {  	[sflag:s12] =	ssyncadd.s32 $0xFFFFD800  }
0x4e: {  	[hbm4b:s16+s2] =	stream.linear.scatter [tilespmem:s8], [sflag:$0x3], $0x2800, $0x38;
	[tilespmem:$0x6400] =	vst v63  }
0x4f: {  	_ =	swait.ge [sflag:s3], $0x2800  }
0x50: {  	[sflag:s3] =	ssyncset.done $0x0  }
.LBB2_2:
0x51: {  	[sflag:s3] =	ssyncadd.s32 $0xFFFFD800  }
0x52: {  	_ =	sfence.sel $0x180000  }
0x53: {  	[bflag:$0x0] =	sbarrier.arrive $0xFFFF  }
0x54: {  	p0 =	sne.s32 s0, $0x0;
	_ =	strace $0x90000047  }
0x55: {  	s0 =	sadd.s32 @!p0 $0x100000, s1;
	[bflag:$0x2] =	sbarrier.arrive $0xFFFF  }
0x56: {  	[sflag:s0] =	ssyncadd.tile.s32 @!p0 $0x1;
	_ =	shalt  }
.Lfunc_end2:
_tile_overlayer_lowered:
.L_overlay_start_2:
0x57: {  	(tag) =	ssettag $0x2  }
0x58: {  	s0 =	rddreg [dreg:$0x0];
	s2 =	stileid.u32  }
0x59: {  	s1 =	rddreg [dreg:$0x1];
	p0 =	sne.s32 s2, $0x0  }
0x5a: {  	s3 =	rddreg [dreg:$0x2];
	[bflag:$0x3] =	sbarrier.arrive $0xFFFF;
	s2 =	simm.s32 @!p0 $0x1C03  }
0x5b: {  	[timem:s3], [sflag:s2] =	dma.local @!p0 [hbm:s0], s1  }
0x5c: {  	s0 =	simm.s32 @!p0 $0x3  }
0x5d: {  	_ =	swait.ge @!p0 [sflag:s0], s1  }
0x5e: {  	s1 =	ssub.s32 @!p0 $0x0, s1;
	[sflag:s0] =	ssyncset.done @!p0 $0x0  }
0x5f: {  	[sflag:s0] =	ssyncadd.s32 @!p0 s1  }
0x60: {  	[bflag:$0x3] =	sbarrier.arrive $0xFFFF  }
0x61: {  	_ =	shalt  }

</sc_bundles>
